<compile_context>
chip_gen: v7x
topology: tpu7x:2x2x1
jax: 0.10.2.dev20260603
libtpu: 0.0.44.dev20260713+nightly
codegen_flags: <defaults>
</compile_context>

<pallas_src>
import functools

import jax
import jax.numpy as jnp
from jax import lax
from jax.experimental import pallas as pl
from jax.experimental.pallas import tpu as pltpu
from jax.experimental.pallas import tpu_sc as plsc

_NC = 2
_NS = 16
_CHUNK = 128
_F0_L1 = 0.61
_F0_L2 = 0.61


def _round_up(v, m):
    return (v + m - 1) // m * m


def _make_sc_segment_sum(n_pad, d_tot, cpw0, cpw1):
    rows_per_tile = n_pad // _NS
    n0 = _NS * cpw0
    mesh = plsc.VectorSubcoreMesh(core_axis_name="c", subcore_axis_name="s")

    @functools.partial(
        pl.kernel,
        out_type=jax.ShapeDtypeStruct((_NC * n_pad, d_tot), jnp.float32),
        mesh=mesh,
        compiler_params=pltpu.CompilerParams(use_tc_tiling_on_sc=False),
        scratch_types=[
            pltpu.VMEM((2, _CHUNK), jnp.int32),
            pltpu.VMEM((_CHUNK, d_tot), jnp.float32),
            pltpu.VMEM_SHARED((n_pad, d_tot), jnp.float32),
            pltpu.SemaphoreType.DMA,
        ],
    )
    def sc_kernel(rows_hbm, edges_hbm, zeros_hbm, out_hbm,
                  idx_a, gat_v, acc_sh, sem_g):
        cid = lax.axis_index("c")
        sid = lax.axis_index("s")
        r0 = sid * rows_per_tile
        n_sub = rows_per_tile // _CHUNK
        pltpu.sync_copy(zeros_hbm, gat_v)
        for j in range(n_sub):
            pltpu.sync_copy(
                gat_v, acc_sh.at[pl.ds(r0 + j * _CHUNK, _CHUNK)])
        plsc.subcore_barrier()

        def step(chunk_idx):
            off = chunk_idx * _CHUNK
            pltpu.sync_copy(edges_hbm.at[:, pl.ds(off, _CHUNK)], idx_a)
            pltpu.async_copy(rows_hbm.at[idx_a.at[0]], gat_v, sem_g).wait()
            pltpu.sync_copy(gat_v, acc_sh.at[idx_a.at[1]], add=True)

        @pl.when(cid == 0)
        def _():
            lax.fori_loop(
                0, cpw0, lambda i, c: (step(sid * cpw0 + i), c)[1], 0)

        @pl.when(cid == 1)
        def _():
            lax.fori_loop(
                0, cpw1, lambda i, c: (step(n0 + sid * cpw1 + i), c)[1], 0)
        plsc.subcore_barrier()
        for j in range(n_sub):
            pltpu.sync_copy(
                acc_sh.at[pl.ds(r0 + j * _CHUNK, _CHUNK)], gat_v)
            pltpu.sync_copy(
                gat_v,
                out_hbm.at[pl.ds(cid * n_pad + r0 + j * _CHUNK, _CHUNK)])

    return sc_kernel


def _tca_body(res1_ref, x_ref, s_ref, w1r_ref, w1n_ref, b1_ref, w2n_ref,
              h_ref, p_ref, *, blk, d):
    i = pl.program_id(0)
    s = s_ref[0] + s_ref[1]
    deg = jnp.maximum(s[:, d:d + 1], 1.0)
    agg = s[:, :d] / deg
    z = (jnp.dot(x_ref[:, :d], w1r_ref[...], preferred_element_type=jnp.float32)
         + jnp.dot(agg, w1n_ref[...], preferred_element_type=jnp.float32)
         + b1_ref[...])
    rows = i * blk + lax.broadcasted_iota(jnp.int32, (blk, 1), 0)
    h = jnp.where(rows < res1_ref[0], jnp.maximum(z, 0.0), 0.0)
    h_ref[...] = h
    p = jnp.dot(h, w2n_ref[...], preferred_element_type=jnp.float32)
    p_ref[...] = jnp.concatenate(
        [p, jnp.ones((blk, 16), jnp.float32)], axis=1)


def _tcb_body(res2_ref, h_ref, s_ref, w2r_ref, b2_ref, o_ref, *, blk, c):
    i = pl.program_id(0)
    s = s_ref[0] + s_ref[1]
    agg = s[:, :c] / jnp.maximum(s[:, c:c + 1], 1.0)
    z = (jnp.dot(h_ref[...], w2r_ref[...], preferred_element_type=jnp.float32)
         + agg + b2_ref[...])
    rows = i * blk + lax.broadcasted_iota(jnp.int32, (blk, 1), 0)
    z = jnp.where(rows < res2_ref[0], z, 0.0)
    m = jnp.max(z, axis=1, keepdims=True)
    e = jnp.exp(z - m)
    o_ref[...] = z - m - jnp.log(jnp.sum(e, axis=1, keepdims=True))


def kernel(x, edge_index1, res_size1, edge_index2, res_size2,
           W1_root, W1_neigh, b1, W2_root, W2_neigh, b2):
    n, d = x.shape
    hdim = W1_root.shape[1]
    cdim = W2_root.shape[1]
    e = edge_index1.shape[1]
    blk = 512
    n_pad = _round_up(n + 1, blk)
    tot = -(-e // (_NS * _CHUNK))
    cpw0a = max(1, min(tot - 1, round(tot * _F0_L1)))
    cpw0b = max(1, min(tot - 1, round(tot * _F0_L2)))
    e_pad = tot * _NS * _CHUNK
    d1 = d + 16
    d2 = cdim + 16

    xpad = jnp.pad(
        jnp.concatenate([x, jnp.ones((n, 16), jnp.float32)], axis=1),
        ((0, n_pad - n), (0, 0)))
    ei1 = edge_index1.astype(jnp.int32)
    ei2 = edge_index2.astype(jnp.int32)
    edges1 = jnp.stack([jnp.pad(ei1[0], (0, e_pad - e)),
                        jnp.pad(ei1[1], (0, e_pad - e), constant_values=n)])
    edges2 = jnp.stack([jnp.pad(ei2[0], (0, e_pad - e)),
                        jnp.pad(ei2[1], (0, e_pad - e), constant_values=n)])
    z1 = jnp.zeros((_CHUNK, d1), jnp.float32)
    z2 = jnp.zeros((_CHUNK, d2), jnp.float32)
    res1 = jnp.asarray(res_size1, jnp.int32).reshape(1)
    res2 = jnp.asarray(res_size2, jnp.int32).reshape(1)

    s1 = _make_sc_segment_sum(n_pad, d1, cpw0a, tot - cpw0a)(xpad, edges1, z1)
    s1 = s1.reshape(_NC, n_pad, d1)

    grid = (n_pad // blk,)
    h, p = pl.pallas_call(
        functools.partial(_tca_body, blk=blk, d=d),
        grid=grid,
        in_specs=[
            pl.BlockSpec(memory_space=pltpu.SMEM),
            pl.BlockSpec((blk, d1), lambda i: (i, 0)),
            pl.BlockSpec((_NC, blk, d1), lambda i: (0, i, 0)),
            pl.BlockSpec((d, hdim), lambda i: (0, 0)),
            pl.BlockSpec((d, hdim), lambda i: (0, 0)),
            pl.BlockSpec((1, hdim), lambda i: (0, 0)),
            pl.BlockSpec((hdim, cdim), lambda i: (0, 0)),
        ],
        out_specs=[
            pl.BlockSpec((blk, hdim), lambda i: (i, 0)),
            pl.BlockSpec((blk, d2), lambda i: (i, 0)),
        ],
        out_shape=[
            jax.ShapeDtypeStruct((n_pad, hdim), jnp.float32),
            jax.ShapeDtypeStruct((n_pad, d2), jnp.float32),
        ],
    )(res1, xpad, s1, W1_root, W1_neigh, b1.reshape(1, hdim), W2_neigh)

    s2 = _make_sc_segment_sum(n_pad, d2, cpw0b, tot - cpw0b)(p, edges2, z2)
    s2 = s2.reshape(_NC, n_pad, d2)

    out = pl.pallas_call(
        functools.partial(_tcb_body, blk=blk, c=cdim),
        grid=grid,
        in_specs=[
            pl.BlockSpec(memory_space=pltpu.SMEM),
            pl.BlockSpec((blk, hdim), lambda i: (i, 0)),
            pl.BlockSpec((_NC, blk, d2), lambda i: (0, i, 0)),
            pl.BlockSpec((hdim, cdim), lambda i: (0, 0)),
            pl.BlockSpec((1, cdim), lambda i: (0, 0)),
        ],
        out_specs=pl.BlockSpec((blk, cdim), lambda i: (i, 0)),
        out_shape=jax.ShapeDtypeStruct((n_pad, cdim), jnp.float32),
    )(res2, h, s2, W2_root, b2.reshape(1, cdim))

    return out[:n]

# --- scband reference (transcript-rebuilt; emitter-appended) ---
"""Pipeline reference for scband-sagenet-33509334843589 (READ-ONLY COPY).

The authoritative reference and input builder live on the scoring server;
editing this copy changes nothing except your own understanding.
"""

import jax, jax.numpy as jnp
import numpy as np

N_NODES = 10000
N_EDGES = 320000
D_FEAT = 128
N_HIDDEN = 512
N_CLASSES = 64


def _sage_conv(x, res_size, edge_index, W_root, W_neigh, b):
    # GraphSAGE mean aggregator: gather neighbor features along src,
    # scatter-mean into dst (first res_size nodes are the targets),
    # combine with self features via two linear maps.
    src = edge_index[0]
    dst = edge_index[1]
    n_static = x.shape[0]
    msgs = x[src]  # gather: [E, d]
    agg = jax.ops.segment_sum(msgs, dst, num_segments=n_static)  # scatter-add
    deg = jax.ops.segment_sum(jnp.ones((msgs.shape[0],), dtype=x.dtype), dst,
                              num_segments=n_static)
    agg = agg / jnp.maximum(deg, 1.0)[:, None]
    out = x[:n_static] @ W_root + agg @ W_neigh + b
    row_mask = jnp.arange(n_static) < res_size
    return jnp.where(row_mask[:, None], out, jnp.zeros((), dtype=out.dtype))


def setup_inputs(seed: int = 0) -> dict:
    key = jax.random.key(seed)
    ks = jax.random.split(key, 9)
    x = jax.random.normal(ks[0], (N_NODES, D_FEAT), dtype=jnp.float32)
    edge_index1 = jax.random.randint(ks[1], (2, N_EDGES), 0, N_NODES, dtype=jnp.int64)
    edge_index2 = jax.random.randint(ks[2], (2, N_EDGES), 0, N_NODES, dtype=jnp.int64)
    W1_root = jax.random.normal(ks[3], (D_FEAT, N_HIDDEN), dtype=jnp.float32) * 0.02
    W1_neigh = jax.random.normal(ks[4], (D_FEAT, N_HIDDEN), dtype=jnp.float32) * 0.02
    b1 = jnp.zeros((N_HIDDEN,), dtype=jnp.float32)
    W2_root = jax.random.normal(ks[5], (N_HIDDEN, N_CLASSES), dtype=jnp.float32) * 0.02
    W2_neigh = jax.random.normal(ks[6], (N_HIDDEN, N_CLASSES), dtype=jnp.float32) * 0.02
    b2 = jnp.zeros((N_CLASSES,), dtype=jnp.float32)
    return {
        "x": x,
        "edge_index1": edge_index1,
        "res_size1": N_NODES,
        "edge_index2": edge_index2,
        "res_size2": N_NODES,
        "W1_root": W1_root, "W1_neigh": W1_neigh, "b1": b1,
        "W2_root": W2_root, "W2_neigh": W2_neigh, "b2": b2,
    }


def reference(x, edge_index1, res_size1, edge_index2, res_size2,
              W1_root, W1_neigh, b1, W2_root, W2_neigh, b2):
    h = _sage_conv(x, res_size1, edge_index1, W1_root, W1_neigh, b1)
    h = jax.nn.relu(h)
    # dropout(p=0.5) is identity in eval mode (training=False)
    h = _sage_conv(h, res_size2, edge_index2, W2_root, W2_neigh, b2)
    return jax.nn.log_softmax(h, axis=1)

if __name__ == "__main__":
    import jax
    _d = setup_inputs()
    print(jax.jit(kernel)(*tuple(_d.values())))

</pallas_src>

<mosaic_0001>
#map = affine_map<(d0, d1) -> (0, 0)>
module attributes {stable_mosaic.version = 14 : i64} {
  func.func @sc_kernel(%arg0: i32, %arg1: i32, %arg2: memref<10240x144xf32, #tpu.memory_space<hbm>>, %arg3: memref<2x321536xi32, #tpu.memory_space<hbm>>, %arg4: memref<128x144xf32, #tpu.memory_space<hbm>>, %arg5: memref<20480x144xf32, #tpu.memory_space<hbm>>, %arg6: memref<2x128xi32, #tpu.memory_space<vmem>>, %arg7: memref<128x144xf32, #tpu.memory_space<vmem>>, %arg8: memref<10240x144xf32, #tpu.memory_space<vmem_shared>>, %arg9: memref<!tpu.dma_semaphore, #tpu.memory_space<semaphore_mem>>) attributes {dimension_semantics = [#tpu.dimension_semantics<core_parallel>, #tpu.dimension_semantics<subcore_parallel>], iteration_bounds = array<i64: 2, 16>, scalar_prefetch = 0 : i64, scratch_operands = 4 : i64, tpu.core_type = #tpu.core_type<sc_vector_subcore>, window_params = [{transform_indices = #map}, {transform_indices = #map}, {transform_indices = #map}, {transform_indices = #map}]} {
    %mul3A = arith.constant 640 : i32
    %mul3A_0 = arith.muli %arg1, %mul3A : i32
    "tpu.region"() ({
      %run_scoped3A = tpu.sem_alloc : memref<!tpu.dma_semaphore, #tpu.memory_space<semaphore_mem>>
      tpu.enqueue_dma source(%arg4 : memref<128x144xf32, #tpu.memory_space<hbm>>) target(%arg7 : memref<128x144xf32, #tpu.memory_space<vmem>>) target_semaphore(%run_scoped3A : memref<!tpu.dma_semaphore, #tpu.memory_space<semaphore_mem>>)
      tpu.wait_dma2 semaphore(%run_scoped3A : memref<!tpu.dma_semaphore, #tpu.memory_space<semaphore_mem>>) src(%arg4 : memref<128x144xf32, #tpu.memory_space<hbm>>) dst(%arg7 : memref<128x144xf32, #tpu.memory_space<vmem>>)
      tpu.yield
    }) : () -> ()
    %add3A = arith.constant 0 : i32
    %add3A_1 = arith.addi %mul3A_0, %add3A : i32
    "tpu.region"() ({
      %run_scoped3A = tpu.sem_alloc : memref<!tpu.dma_semaphore, #tpu.memory_space<semaphore_mem>>
      %dma_start3A = arith.constant 0 : i32
      %dma_start3A_53 = tpu.memref_slice %arg8[%add3A_1, %dma_start3A] : memref<10240x144xf32, #tpu.memory_space<vmem_shared>> -> memref<128x144xf32, #tpu.memory_space<vmem_shared>>
      %dma_start3A_54 = arith.constant 0 : i32
      %dma_start3A_55 = tpu.memref_slice %arg8[%add3A_1, %dma_start3A_54] : memref<10240x144xf32, #tpu.memory_space<vmem_shared>> -> memref<128x144xf32, #tpu.memory_space<vmem_shared>>
      tpu.enqueue_dma source(%arg7 : memref<128x144xf32, #tpu.memory_space<vmem>>) target(%dma_start3A_55 : memref<128x144xf32, #tpu.memory_space<vmem_shared>>) target_semaphore(%run_scoped3A : memref<!tpu.dma_semaphore, #tpu.memory_space<semaphore_mem>>)
      %dma_wait3A = arith.constant 0 : i32
      %dma_wait3A_56 = tpu.memref_slice %arg8[%add3A_1, %dma_wait3A] : memref<10240x144xf32, #tpu.memory_space<vmem_shared>> -> memref<128x144xf32, #tpu.memory_space<vmem_shared>>
      %dma_wait3A_57 = arith.constant 0 : i32
      %dma_wait3A_58 = tpu.memref_slice %arg8[%add3A_1, %dma_wait3A_57] : memref<10240x144xf32, #tpu.memory_space<vmem_shared>> -> memref<128x144xf32, #tpu.memory_space<vmem_shared>>
      tpu.wait_dma2 semaphore(%run_scoped3A : memref<!tpu.dma_semaphore, #tpu.memory_space<semaphore_mem>>) src(%arg7 : memref<128x144xf32, #tpu.memory_space<vmem>>) dst(%dma_wait3A_58 : memref<128x144xf32, #tpu.memory_space<vmem_shared>>)
      tpu.yield
    }) : () -> ()
    %add3A_2 = arith.constant 128 : i32
    %add3A_3 = arith.addi %mul3A_0, %add3A_2 : i32
    "tpu.region"() ({
      %run_scoped3A = tpu.sem_alloc : memref<!tpu.dma_semaphore, #tpu.memory_space<semaphore_mem>>
      %dma_start3A = arith.constant 0 : i32
      %dma_start3A_53 = tpu.memref_slice %arg8[%add3A_3, %dma_start3A] : memref<10240x144xf32, #tpu.memory_space<vmem_shared>> -> memref<128x144xf32, #tpu.memory_space<vmem_shared>>
      %dma_start3A_54 = arith.constant 0 : i32
      %dma_start3A_55 = tpu.memref_slice %arg8[%add3A_3, %dma_start3A_54] : memref<10240x144xf32, #tpu.memory_space<vmem_shared>> -> memref<128x144xf32, #tpu.memory_space<vmem_shared>>
      tpu.enqueue_dma source(%arg7 : memref<128x144xf32, #tpu.memory_space<vmem>>) target(%dma_start3A_55 : memref<128x144xf32, #tpu.memory_space<vmem_shared>>) target_semaphore(%run_scoped3A : memref<!tpu.dma_semaphore, #tpu.memory_space<semaphore_mem>>)
      %dma_wait3A = arith.constant 0 : i32
      %dma_wait3A_56 = tpu.memref_slice %arg8[%add3A_3, %dma_wait3A] : memref<10240x144xf32, #tpu.memory_space<vmem_shared>> -> memref<128x144xf32, #tpu.memory_space<vmem_shared>>
      %dma_wait3A_57 = arith.constant 0 : i32
      %dma_wait3A_58 = tpu.memref_slice %arg8[%add3A_3, %dma_wait3A_57] : memref<10240x144xf32, #tpu.memory_space<vmem_shared>> -> memref<128x144xf32, #tpu.memory_space<vmem_shared>>
      tpu.wait_dma2 semaphore(%run_scoped3A : memref<!tpu.dma_semaphore, #tpu.memory_space<semaphore_mem>>) src(%arg7 : memref<128x144xf32, #tpu.memory_space<vmem>>) dst(%dma_wait3A_58 : memref<128x144xf32, #tpu.memory_space<vmem_shared>>)
      tpu.yield
    }) : () -> ()
    %add3A_4 = arith.constant 256 : i32
    %add3A_5 = arith.addi %mul3A_0, %add3A_4 : i32
    "tpu.region"() ({
      %run_scoped3A = tpu.sem_alloc : memref<!tpu.dma_semaphore, #tpu.memory_space<semaphore_mem>>
      %dma_start3A = arith.constant 0 : i32
      %dma_start3A_53 = tpu.memref_slice %arg8[%add3A_5, %dma_start3A] : memref<10240x144xf32, #tpu.memory_space<vmem_shared>> -> memref<128x144xf32, #tpu.memory_space<vmem_shared>>
      %dma_start3A_54 = arith.constant 0 : i32
      %dma_start3A_55 = tpu.memref_slice %arg8[%add3A_5, %dma_start3A_54] : memref<10240x144xf32, #tpu.memory_space<vmem_shared>> -> memref<128x144xf32, #tpu.memory_space<vmem_shared>>
      tpu.enqueue_dma source(%arg7 : memref<128x144xf32, #tpu.memory_space<vmem>>) target(%dma_start3A_55 : memref<128x144xf32, #tpu.memory_space<vmem_shared>>) target_semaphore(%run_scoped3A : memref<!tpu.dma_semaphore, #tpu.memory_space<semaphore_mem>>)
      %dma_wait3A = arith.constant 0 : i32
      %dma_wait3A_56 = tpu.memref_slice %arg8[%add3A_5, %dma_wait3A] : memref<10240x144xf32, #tpu.memory_space<vmem_shared>> -> memref<128x144xf32, #tpu.memory_space<vmem_shared>>
      %dma_wait3A_57 = arith.constant 0 : i32
      %dma_wait3A_58 = tpu.memref_slice %arg8[%add3A_5, %dma_wait3A_57] : memref<10240x144xf32, #tpu.memory_space<vmem_shared>> -> memref<128x144xf32, #tpu.memory_space<vmem_shared>>
      tpu.wait_dma2 semaphore(%run_scoped3A : memref<!tpu.dma_semaphore, #tpu.memory_space<semaphore_mem>>) src(%arg7 : memref<128x144xf32, #tpu.memory_space<vmem>>) dst(%dma_wait3A_58 : memref<128x144xf32, #tpu.memory_space<vmem_shared>>)
      tpu.yield
    }) : () -> ()
    %add3A_6 = arith.constant 384 : i32
    %add3A_7 = arith.addi %mul3A_0, %add3A_6 : i32
    "tpu.region"() ({
      %run_scoped3A = tpu.sem_alloc : memref<!tpu.dma_semaphore, #tpu.memory_space<semaphore_mem>>
      %dma_start3A = arith.constant 0 : i32
      %dma_start3A_53 = tpu.memref_slice %arg8[%add3A_7, %dma_start3A] : memref<10240x144xf32, #tpu.memory_space<vmem_shared>> -> memref<128x144xf32, #tpu.memory_space<vmem_shared>>
      %dma_start3A_54 = arith.constant 0 : i32
      %dma_start3A_55 = tpu.memref_slice %arg8[%add3A_7, %dma_start3A_54] : memref<10240x144xf32, #tpu.memory_space<vmem_shared>> -> memref<128x144xf32, #tpu.memory_space<vmem_shared>>
      tpu.enqueue_dma source(%arg7 : memref<128x144xf32, #tpu.memory_space<vmem>>) target(%dma_start3A_55 : memref<128x144xf32, #tpu.memory_space<vmem_shared>>) target_semaphore(%run_scoped3A : memref<!tpu.dma_semaphore, #tpu.memory_space<semaphore_mem>>)
      %dma_wait3A = arith.constant 0 : i32
      %dma_wait3A_56 = tpu.memref_slice %arg8[%add3A_7, %dma_wait3A] : memref<10240x144xf32, #tpu.memory_space<vmem_shared>> -> memref<128x144xf32, #tpu.memory_space<vmem_shared>>
      %dma_wait3A_57 = arith.constant 0 : i32
      %dma_wait3A_58 = tpu.memref_slice %arg8[%add3A_7, %dma_wait3A_57] : memref<10240x144xf32, #tpu.memory_space<vmem_shared>> -> memref<128x144xf32, #tpu.memory_space<vmem_shared>>
      tpu.wait_dma2 semaphore(%run_scoped3A : memref<!tpu.dma_semaphore, #tpu.memory_space<semaphore_mem>>) src(%arg7 : memref<128x144xf32, #tpu.memory_space<vmem>>) dst(%dma_wait3A_58 : memref<128x144xf32, #tpu.memory_space<vmem_shared>>)
      tpu.yield
    }) : () -> ()
    %add3A_8 = arith.constant 512 : i32
    %add3A_9 = arith.addi %mul3A_0, %add3A_8 : i32
    "tpu.region"() ({
      %run_scoped3A = tpu.sem_alloc : memref<!tpu.dma_semaphore, #tpu.memory_space<semaphore_mem>>
      %dma_start3A = arith.constant 0 : i32
      %dma_start3A_53 = tpu.memref_slice %arg8[%add3A_9, %dma_start3A] : memref<10240x144xf32, #tpu.memory_space<vmem_shared>> -> memref<128x144xf32, #tpu.memory_space<vmem_shared>>
      %dma_start3A_54 = arith.constant 0 : i32
      %dma_start3A_55 = tpu.memref_slice %arg8[%add3A_9, %dma_start3A_54] : memref<10240x144xf32, #tpu.memory_space<vmem_shared>> -> memref<128x144xf32, #tpu.memory_space<vmem_shared>>
      tpu.enqueue_dma source(%arg7 : memref<128x144xf32, #tpu.memory_space<vmem>>) target(%dma_start3A_55 : memref<128x144xf32, #tpu.memory_space<vmem_shared>>) target_semaphore(%run_scoped3A : memref<!tpu.dma_semaphore, #tpu.memory_space<semaphore_mem>>)
      %dma_wait3A = arith.constant 0 : i32
      %dma_wait3A_56 = tpu.memref_slice %arg8[%add3A_9, %dma_wait3A] : memref<10240x144xf32, #tpu.memory_space<vmem_shared>> -> memref<128x144xf32, #tpu.memory_space<vmem_shared>>
      %dma_wait3A_57 = arith.constant 0 : i32
      %dma_wait3A_58 = tpu.memref_slice %arg8[%add3A_9, %dma_wait3A_57] : memref<10240x144xf32, #tpu.memory_space<vmem_shared>> -> memref<128x144xf32, #tpu.memory_space<vmem_shared>>
      tpu.wait_dma2 semaphore(%run_scoped3A : memref<!tpu.dma_semaphore, #tpu.memory_space<semaphore_mem>>) src(%arg7 : memref<128x144xf32, #tpu.memory_space<vmem>>) dst(%dma_wait3A_58 : memref<128x144xf32, #tpu.memory_space<vmem_shared>>)
      tpu.yield
    }) : () -> ()
    %barrier3A = arith.constant 0 : index
    tpu.barrier barrier_id(%barrier3A)
    %eq3A = arith.constant 0 : i32
    %eq3A_10 = arith.cmpi eq, %arg0, %eq3A : i32
    %convert_element_type3A = arith.extui %eq3A_10 : i1 to i32
    %cond3A = arith.constant 0 : i32
    %cond3A_11 = arith.cmpi ne, %convert_element_type3A, %cond3A : i32
    scf.if %cond3A_11 {
      %scan3A = arith.constant 0 : i32
      %scan3A_53 = arith.constant 0 : i32
      %scan3A_54 = arith.constant 96 : i32
      %scan3A_55 = arith.addi %scan3A_53, %scan3A_54 : i32
      %scan3A_56 = arith.constant 1 : i32
      scf.for %scan3A_58 = %scan3A_53 to %scan3A_55 step %scan3A_56  : i32 {
        %mul3A_59 = arith.constant 96 : i32
        %mul3A_60 = arith.muli %arg1, %mul3A_59 : i32
        %add3A_61 = arith.addi %mul3A_60, %scan3A_58 : i32
        %mul3A_62 = arith.constant 128 : i32
        %mul3A_63 = arith.muli %add3A_61, %mul3A_62 : i32
        "tpu.region"() ({
          %run_scoped3A_76 = tpu.sem_alloc : memref<!tpu.dma_semaphore, #tpu.memory_space<semaphore_mem>>
          %dma_start3A_77 = arith.constant 0 : i32
          %dma_start3A_78 = tpu.memref_slice %arg3[%dma_start3A_77, %mul3A_63] : memref<2x321536xi32, #tpu.memory_space<hbm>> -> memref<2x128xi32, #tpu.memory_space<hbm>>
          %dma_start3A_79 = arith.constant 0 : i32
          %dma_start3A_80 = tpu.memref_slice %arg3[%dma_start3A_79, %mul3A_63] : memref<2x321536xi32, #tpu.memory_space<hbm>> -> memref<2x128xi32, #tpu.memory_space<hbm>>
          tpu.enqueue_dma source(%dma_start3A_80 : memref<2x128xi32, #tpu.memory_space<hbm>>) target(%arg6 : memref<2x128xi32, #tpu.memory_space<vmem>>) target_semaphore(%run_scoped3A_76 : memref<!tpu.dma_semaphore, #tpu.memory_space<semaphore_mem>>)
          %dma_wait3A_81 = arith.constant 0 : i32
          %dma_wait3A_82 = tpu.memref_slice %arg3[%dma_wait3A_81, %mul3A_63] : memref<2x321536xi32, #tpu.memory_space<hbm>> -> memref<2x128xi32, #tpu.memory_space<hbm>>
          %dma_wait3A_83 = arith.constant 0 : i32
          %dma_wait3A_84 = tpu.memref_slice %arg3[%dma_wait3A_83, %mul3A_63] : memref<2x321536xi32, #tpu.memory_space<hbm>> -> memref<2x128xi32, #tpu.memory_space<hbm>>
          tpu.wait_dma2 semaphore(%run_scoped3A_76 : memref<!tpu.dma_semaphore, #tpu.memory_space<semaphore_mem>>) src(%dma_wait3A_84 : memref<2x128xi32, #tpu.memory_space<hbm>>) dst(%arg6 : memref<2x128xi32, #tpu.memory_space<vmem>>)
          tpu.yield
        }) : () -> ()
        %dma_start3A = arith.constant 0 : i32
        %dma_start3A_64 = arith.constant 0 : i32
        %dma_start3A_65 = tpu.memref_slice %arg6[%dma_start3A, %dma_start3A_64] : memref<2x128xi32, #tpu.memory_space<vmem>> -> memref<1x128xi32, #tpu.memory_space<vmem>>
        %dma_start3A_66 = tpu.memref_squeeze %dma_start3A_65 : memref<1x128xi32, #tpu.memory_space<vmem>> -> memref<128xi32, #tpu.memory_space<vmem>>
        %dma_start3A_67 = arith.constant 0 : i32
        %dma_start3A_68 = arith.constant 0 : i32
        %dma_start3A_69 = tpu.memref_slice %arg2[%dma_start3A_67, %dma_start3A_68] : memref<10240x144xf32, #tpu.memory_space<hbm>> -> memref<10240x144xf32, #tpu.memory_space<hbm>>
        tpu.enqueue_indirect_dma source(%dma_start3A_69 : memref<10240x144xf32, #tpu.memory_space<hbm>>) target(%arg7 : memref<128x144xf32, #tpu.memory_space<vmem>>) offsets(%dma_start3A_66 : memref<128xi32, #tpu.memory_space<vmem>>) semaphore(%arg9 : memref<!tpu.dma_semaphore, #tpu.memory_space<semaphore_mem>>)
        %dma_wait3A = arith.constant 0 : i32
        %dma_wait3A_70 = arith.constant 0 : i32
        %dma_wait3A_71 = tpu.memref_slice %arg6[%dma_wait3A, %dma_wait3A_70] : memref<2x128xi32, #tpu.memory_space<vmem>> -> memref<1x128xi32, #tpu.memory_space<vmem>>
        %dma_wait3A_72 = tpu.memref_squeeze %dma_wait3A_71 : memref<1x128xi32, #tpu.memory_space<vmem>> -> memref<128xi32, #tpu.memory_space<vmem>>
        %dma_wait3A_73 = arith.constant 0 : i32
        %dma_wait3A_74 = arith.constant 0 : i32
        %dma_wait3A_75 = tpu.memref_slice %arg2[%dma_wait3A_73, %dma_wait3A_74] : memref<10240x144xf32, #tpu.memory_space<hbm>> -> memref<10240x144xf32, #tpu.memory_space<hbm>>
        tpu.wait_indirect_dma semaphore(%arg9 : memref<!tpu.dma_semaphore, #tpu.memory_space<semaphore_mem>>) src(%dma_wait3A_75 : memref<10240x144xf32, #tpu.memory_space<hbm>>) dst(%arg7 : memref<128x144xf32, #tpu.memory_space<vmem>>)
        %run_scoped3A = arith.constant 1 : i32
        "tpu.region"() ({
          %run_scoped3A_76 = tpu.sem_alloc : memref<!tpu.dma_semaphore, #tpu.memory_space<semaphore_mem>>
          %dma_start3A_77 = arith.constant 0 : i32
          %dma_start3A_78 = tpu.memref_slice %arg6[%run_scoped3A, %dma_start3A_77] : memref<2x128xi32, #tpu.memory_space<vmem>> -> memref<1x128xi32, #tpu.memory_space<vmem>>
          %dma_start3A_79 = tpu.memref_squeeze %dma_start3A_78 : memref<1x128xi32, #tpu.memory_space<vmem>> -> memref<128xi32, #tpu.memory_space<vmem>>
          %dma_start3A_80 = arith.constant 0 : i32
          %dma_start3A_81 = arith.constant 0 : i32
          %dma_start3A_82 = tpu.memref_slice %arg8[%dma_start3A_80, %dma_start3A_81] : memref<10240x144xf32, #tpu.memory_space<vmem_shared>> -> memref<10240x144xf32, #tpu.memory_space<vmem_shared>>
          tpu.enqueue_indirect_dma source(%arg7 : memref<128x144xf32, #tpu.memory_space<vmem>>) target(%dma_start3A_82 : memref<10240x144xf32, #tpu.memory_space<vmem_shared>>) offsets(%dma_start3A_79 : memref<128xi32, #tpu.memory_space<vmem>>) semaphore(%run_scoped3A_76 : memref<!tpu.dma_semaphore, #tpu.memory_space<semaphore_mem>>) {add = true}
          %dma_wait3A_83 = arith.constant 0 : i32
          %dma_wait3A_84 = tpu.memref_slice %arg6[%run_scoped3A, %dma_wait3A_83] : memref<2x128xi32, #tpu.memory_space<vmem>> -> memref<1x128xi32, #tpu.memory_space<vmem>>
          %dma_wait3A_85 = tpu.memref_squeeze %dma_wait3A_84 : memref<1x128xi32, #tpu.memory_space<vmem>> -> memref<128xi32, #tpu.memory_space<vmem>>
          %dma_wait3A_86 = arith.constant 0 : i32
          %dma_wait3A_87 = arith.constant 0 : i32
          %dma_wait3A_88 = tpu.memref_slice %arg8[%dma_wait3A_86, %dma_wait3A_87] : memref<10240x144xf32, #tpu.memory_space<vmem_shared>> -> memref<10240x144xf32, #tpu.memory_space<vmem_shared>>
          tpu.wait_indirect_dma semaphore(%run_scoped3A_76 : memref<!tpu.dma_semaphore, #tpu.memory_space<semaphore_mem>>) src(%arg7 : memref<128x144xf32, #tpu.memory_space<vmem>>) dst(%dma_wait3A_88 : memref<10240x144xf32, #tpu.memory_space<vmem_shared>>)
          tpu.yield
        }) : () -> ()
      }
      %scan3A_57 = arith.constant 96 : i32
    } else {
    }
    %eq3A_12 = arith.constant 1 : i32
    %eq3A_13 = arith.cmpi eq, %arg0, %eq3A_12 : i32
    %convert_element_type3A_14 = arith.extui %eq3A_13 : i1 to i32
    %cond3A_15 = arith.constant 0 : i32
    %cond3A_16 = arith.cmpi ne, %convert_element_type3A_14, %cond3A_15 : i32
    scf.if %cond3A_16 {
      %scan3A = arith.constant 0 : i32
      %scan3A_53 = arith.constant 0 : i32
      %scan3A_54 = arith.constant 61 : i32
      %scan3A_55 = arith.addi %scan3A_53, %scan3A_54 : i32
      %scan3A_56 = arith.constant 1 : i32
      scf.for %scan3A_58 = %scan3A_53 to %scan3A_55 step %scan3A_56  : i32 {
        %mul3A_59 = arith.constant 61 : i32
        %mul3A_60 = arith.muli %arg1, %mul3A_59 : i32
        %add3A_61 = arith.constant 1536 : i32
        %add3A_62 = arith.addi %add3A_61, %mul3A_60 : i32
        %add3A_63 = arith.addi %add3A_62, %scan3A_58 : i32
        %mul3A_64 = arith.constant 128 : i32
        %mul3A_65 = arith.muli %add3A_63, %mul3A_64 : i32
        "tpu.region"() ({
          %run_scoped3A_78 = tpu.sem_alloc : memref<!tpu.dma_semaphore, #tpu.memory_space<semaphore_mem>>
          %dma_start3A_79 = arith.constant 0 : i32
          %dma_start3A_80 = tpu.memref_slice %arg3[%dma_start3A_79, %mul3A_65] : memref<2x321536xi32, #tpu.memory_space<hbm>> -> memref<2x128xi32, #tpu.memory_space<hbm>>
          %dma_start3A_81 = arith.constant 0 : i32
          %dma_start3A_82 = tpu.memref_slice %arg3[%dma_start3A_81, %mul3A_65] : memref<2x321536xi32, #tpu.memory_space<hbm>> -> memref<2x128xi32, #tpu.memory_space<hbm>>
          tpu.enqueue_dma source(%dma_start3A_82 : memref<2x128xi32, #tpu.memory_space<hbm>>) target(%arg6 : memref<2x128xi32, #tpu.memory_space<vmem>>) target_semaphore(%run_scoped3A_78 : memref<!tpu.dma_semaphore, #tpu.memory_space<semaphore_mem>>)
          %dma_wait3A_83 = arith.constant 0 : i32
          %dma_wait3A_84 = tpu.memref_slice %arg3[%dma_wait3A_83, %mul3A_65] : memref<2x321536xi32, #tpu.memory_space<hbm>> -> memref<2x128xi32, #tpu.memory_space<hbm>>
          %dma_wait3A_85 = arith.constant 0 : i32
          %dma_wait3A_86 = tpu.memref_slice %arg3[%dma_wait3A_85, %mul3A_65] : memref<2x321536xi32, #tpu.memory_space<hbm>> -> memref<2x128xi32, #tpu.memory_space<hbm>>
          tpu.wait_dma2 semaphore(%run_scoped3A_78 : memref<!tpu.dma_semaphore, #tpu.memory_space<semaphore_mem>>) src(%dma_wait3A_86 : memref<2x128xi32, #tpu.memory_space<hbm>>) dst(%arg6 : memref<2x128xi32, #tpu.memory_space<vmem>>)
          tpu.yield
        }) : () -> ()
        %dma_start3A = arith.constant 0 : i32
        %dma_start3A_66 = arith.constant 0 : i32
        %dma_start3A_67 = tpu.memref_slice %arg6[%dma_start3A, %dma_start3A_66] : memref<2x128xi32, #tpu.memory_space<vmem>> -> memref<1x128xi32, #tpu.memory_space<vmem>>
        %dma_start3A_68 = tpu.memref_squeeze %dma_start3A_67 : memref<1x128xi32, #tpu.memory_space<vmem>> -> memref<128xi32, #tpu.memory_space<vmem>>
        %dma_start3A_69 = arith.constant 0 : i32
        %dma_start3A_70 = arith.constant 0 : i32
        %dma_start3A_71 = tpu.memref_slice %arg2[%dma_start3A_69, %dma_start3A_70] : memref<10240x144xf32, #tpu.memory_space<hbm>> -> memref<10240x144xf32, #tpu.memory_space<hbm>>
        tpu.enqueue_indirect_dma source(%dma_start3A_71 : memref<10240x144xf32, #tpu.memory_space<hbm>>) target(%arg7 : memref<128x144xf32, #tpu.memory_space<vmem>>) offsets(%dma_start3A_68 : memref<128xi32, #tpu.memory_space<vmem>>) semaphore(%arg9 : memref<!tpu.dma_semaphore, #tpu.memory_space<semaphore_mem>>)
        %dma_wait3A = arith.constant 0 : i32
        %dma_wait3A_72 = arith.constant 0 : i32
        %dma_wait3A_73 = tpu.memref_slice %arg6[%dma_wait3A, %dma_wait3A_72] : memref<2x128xi32, #tpu.memory_space<vmem>> -> memref<1x128xi32, #tpu.memory_space<vmem>>
        %dma_wait3A_74 = tpu.memref_squeeze %dma_wait3A_73 : memref<1x128xi32, #tpu.memory_space<vmem>> -> memref<128xi32, #tpu.memory_space<vmem>>
        %dma_wait3A_75 = arith.constant 0 : i32
        %dma_wait3A_76 = arith.constant 0 : i32
        %dma_wait3A_77 = tpu.memref_slice %arg2[%dma_wait3A_75, %dma_wait3A_76] : memref<10240x144xf32, #tpu.memory_space<hbm>> -> memref<10240x144xf32, #tpu.memory_space<hbm>>
        tpu.wait_indirect_dma semaphore(%arg9 : memref<!tpu.dma_semaphore, #tpu.memory_space<semaphore_mem>>) src(%dma_wait3A_77 : memref<10240x144xf32, #tpu.memory_space<hbm>>) dst(%arg7 : memref<128x144xf32, #tpu.memory_space<vmem>>)
        %run_scoped3A = arith.constant 1 : i32
        "tpu.region"() ({
          %run_scoped3A_78 = tpu.sem_alloc : memref<!tpu.dma_semaphore, #tpu.memory_space<semaphore_mem>>
          %dma_start3A_79 = arith.constant 0 : i32
          %dma_start3A_80 = tpu.memref_slice %arg6[%run_scoped3A, %dma_start3A_79] : memref<2x128xi32, #tpu.memory_space<vmem>> -> memref<1x128xi32, #tpu.memory_space<vmem>>
          %dma_start3A_81 = tpu.memref_squeeze %dma_start3A_80 : memref<1x128xi32, #tpu.memory_space<vmem>> -> memref<128xi32, #tpu.memory_space<vmem>>
          %dma_start3A_82 = arith.constant 0 : i32
          %dma_start3A_83 = arith.constant 0 : i32
          %dma_start3A_84 = tpu.memref_slice %arg8[%dma_start3A_82, %dma_start3A_83] : memref<10240x144xf32, #tpu.memory_space<vmem_shared>> -> memref<10240x144xf32, #tpu.memory_space<vmem_shared>>
          tpu.enqueue_indirect_dma source(%arg7 : memref<128x144xf32, #tpu.memory_space<vmem>>) target(%dma_start3A_84 : memref<10240x144xf32, #tpu.memory_space<vmem_shared>>) offsets(%dma_start3A_81 : memref<128xi32, #tpu.memory_space<vmem>>) semaphore(%run_scoped3A_78 : memref<!tpu.dma_semaphore, #tpu.memory_space<semaphore_mem>>) {add = true}
          %dma_wait3A_85 = arith.constant 0 : i32
          %dma_wait3A_86 = tpu.memref_slice %arg6[%run_scoped3A, %dma_wait3A_85] : memref<2x128xi32, #tpu.memory_space<vmem>> -> memref<1x128xi32, #tpu.memory_space<vmem>>
          %dma_wait3A_87 = tpu.memref_squeeze %dma_wait3A_86 : memref<1x128xi32, #tpu.memory_space<vmem>> -> memref<128xi32, #tpu.memory_space<vmem>>
          %dma_wait3A_88 = arith.constant 0 : i32
          %dma_wait3A_89 = arith.constant 0 : i32
          %dma_wait3A_90 = tpu.memref_slice %arg8[%dma_wait3A_88, %dma_wait3A_89] : memref<10240x144xf32, #tpu.memory_space<vmem_shared>> -> memref<10240x144xf32, #tpu.memory_space<vmem_shared>>
          tpu.wait_indirect_dma semaphore(%run_scoped3A_78 : memref<!tpu.dma_semaphore, #tpu.memory_space<semaphore_mem>>) src(%arg7 : memref<128x144xf32, #tpu.memory_space<vmem>>) dst(%dma_wait3A_90 : memref<10240x144xf32, #tpu.memory_space<vmem_shared>>)
          tpu.yield
        }) : () -> ()
      }
      %scan3A_57 = arith.constant 61 : i32
    } else {
    }
    %barrier3A_17 = arith.constant 0 : index
    tpu.barrier barrier_id(%barrier3A_17)
    %add3A_18 = arith.constant 0 : i32
    %add3A_19 = arith.addi %mul3A_0, %add3A_18 : i32
    "tpu.region"() ({
      %run_scoped3A = tpu.sem_alloc : memref<!tpu.dma_semaphore, #tpu.memory_space<semaphore_mem>>
      %dma_start3A = arith.constant 0 : i32
      %dma_start3A_53 = tpu.memref_slice %arg8[%add3A_19, %dma_start3A] : memref<10240x144xf32, #tpu.memory_space<vmem_shared>> -> memref<128x144xf32, #tpu.memory_space<vmem_shared>>
      %dma_start3A_54 = arith.constant 0 : i32
      %dma_start3A_55 = tpu.memref_slice %arg8[%add3A_19, %dma_start3A_54] : memref<10240x144xf32, #tpu.memory_space<vmem_shared>> -> memref<128x144xf32, #tpu.memory_space<vmem_shared>>
      tpu.enqueue_dma source(%dma_start3A_55 : memref<128x144xf32, #tpu.memory_space<vmem_shared>>) target(%arg7 : memref<128x144xf32, #tpu.memory_space<vmem>>) target_semaphore(%run_scoped3A : memref<!tpu.dma_semaphore, #tpu.memory_space<semaphore_mem>>)
      %dma_wait3A = arith.constant 0 : i32
      %dma_wait3A_56 = tpu.memref_slice %arg8[%add3A_19, %dma_wait3A] : memref<10240x144xf32, #tpu.memory_space<vmem_shared>> -> memref<128x144xf32, #tpu.memory_space<vmem_shared>>
      %dma_wait3A_57 = arith.constant 0 : i32
      %dma_wait3A_58 = tpu.memref_slice %arg8[%add3A_19, %dma_wait3A_57] : memref<10240x144xf32, #tpu.memory_space<vmem_shared>> -> memref<128x144xf32, #tpu.memory_space<vmem_shared>>
      tpu.wait_dma2 semaphore(%run_scoped3A : memref<!tpu.dma_semaphore, #tpu.memory_space<semaphore_mem>>) src(%dma_wait3A_58 : memref<128x144xf32, #tpu.memory_space<vmem_shared>>) dst(%arg7 : memref<128x144xf32, #tpu.memory_space<vmem>>)
      tpu.yield
    }) : () -> ()
    %mul3A_20 = arith.constant 10240 : i32
    %mul3A_21 = arith.muli %arg0, %mul3A_20 : i32
    %add3A_22 = arith.addi %mul3A_21, %mul3A_0 : i32
    %add3A_23 = arith.constant 0 : i32
    %add3A_24 = arith.addi %add3A_22, %add3A_23 : i32
    "tpu.region"() ({
      %run_scoped3A = tpu.sem_alloc : memref<!tpu.dma_semaphore, #tpu.memory_space<semaphore_mem>>
      %dma_start3A = arith.constant 0 : i32
      %dma_start3A_53 = tpu.memref_slice %arg5[%add3A_24, %dma_start3A] : memref<20480x144xf32, #tpu.memory_space<hbm>> -> memref<128x144xf32, #tpu.memory_space<hbm>>
      %dma_start3A_54 = arith.constant 0 : i32
      %dma_start3A_55 = tpu.memref_slice %arg5[%add3A_24, %dma_start3A_54] : memref<20480x144xf32, #tpu.memory_space<hbm>> -> memref<128x144xf32, #tpu.memory_space<hbm>>
      tpu.enqueue_dma source(%arg7 : memref<128x144xf32, #tpu.memory_space<vmem>>) target(%dma_start3A_55 : memref<128x144xf32, #tpu.memory_space<hbm>>) target_semaphore(%run_scoped3A : memref<!tpu.dma_semaphore, #tpu.memory_space<semaphore_mem>>)
      %dma_wait3A = arith.constant 0 : i32
      %dma_wait3A_56 = tpu.memref_slice %arg5[%add3A_24, %dma_wait3A] : memref<20480x144xf32, #tpu.memory_space<hbm>> -> memref<128x144xf32, #tpu.memory_space<hbm>>
      %dma_wait3A_57 = arith.constant 0 : i32
      %dma_wait3A_58 = tpu.memref_slice %arg5[%add3A_24, %dma_wait3A_57] : memref<20480x144xf32, #tpu.memory_space<hbm>> -> memref<128x144xf32, #tpu.memory_space<hbm>>
      tpu.wait_dma2 semaphore(%run_scoped3A : memref<!tpu.dma_semaphore, #tpu.memory_space<semaphore_mem>>) src(%arg7 : memref<128x144xf32, #tpu.memory_space<vmem>>) dst(%dma_wait3A_58 : memref<128x144xf32, #tpu.memory_space<hbm>>)
      tpu.yield
    }) : () -> ()
    %add3A_25 = arith.constant 128 : i32
    %add3A_26 = arith.addi %mul3A_0, %add3A_25 : i32
    "tpu.region"() ({
      %run_scoped3A = tpu.sem_alloc : memref<!tpu.dma_semaphore, #tpu.memory_space<semaphore_mem>>
      %dma_start3A = arith.constant 0 : i32
      %dma_start3A_53 = tpu.memref_slice %arg8[%add3A_26, %dma_start3A] : memref<10240x144xf32, #tpu.memory_space<vmem_shared>> -> memref<128x144xf32, #tpu.memory_space<vmem_shared>>
      %dma_start3A_54 = arith.constant 0 : i32
      %dma_start3A_55 = tpu.memref_slice %arg8[%add3A_26, %dma_start3A_54] : memref<10240x144xf32, #tpu.memory_space<vmem_shared>> -> memref<128x144xf32, #tpu.memory_space<vmem_shared>>
      tpu.enqueue_dma source(%dma_start3A_55 : memref<128x144xf32, #tpu.memory_space<vmem_shared>>) target(%arg7 : memref<128x144xf32, #tpu.memory_space<vmem>>) target_semaphore(%run_scoped3A : memref<!tpu.dma_semaphore, #tpu.memory_space<semaphore_mem>>)
      %dma_wait3A = arith.constant 0 : i32
      %dma_wait3A_56 = tpu.memref_slice %arg8[%add3A_26, %dma_wait3A] : memref<10240x144xf32, #tpu.memory_space<vmem_shared>> -> memref<128x144xf32, #tpu.memory_space<vmem_shared>>
      %dma_wait3A_57 = arith.constant 0 : i32
      %dma_wait3A_58 = tpu.memref_slice %arg8[%add3A_26, %dma_wait3A_57] : memref<10240x144xf32, #tpu.memory_space<vmem_shared>> -> memref<128x144xf32, #tpu.memory_space<vmem_shared>>
      tpu.wait_dma2 semaphore(%run_scoped3A : memref<!tpu.dma_semaphore, #tpu.memory_space<semaphore_mem>>) src(%dma_wait3A_58 : memref<128x144xf32, #tpu.memory_space<vmem_shared>>) dst(%arg7 : memref<128x144xf32, #tpu.memory_space<vmem>>)
      tpu.yield
    }) : () -> ()
    %mul3A_27 = arith.constant 10240 : i32
    %mul3A_28 = arith.muli %arg0, %mul3A_27 : i32
    %add3A_29 = arith.addi %mul3A_28, %mul3A_0 : i32
    %add3A_30 = arith.constant 128 : i32
    %add3A_31 = arith.addi %add3A_29, %add3A_30 : i32
    "tpu.region"() ({
      %run_scoped3A = tpu.sem_alloc : memref<!tpu.dma_semaphore, #tpu.memory_space<semaphore_mem>>
      %dma_start3A = arith.constant 0 : i32
      %dma_start3A_53 = tpu.memref_slice %arg5[%add3A_31, %dma_start3A] : memref<20480x144xf32, #tpu.memory_space<hbm>> -> memref<128x144xf32, #tpu.memory_space<hbm>>
      %dma_start3A_54 = arith.constant 0 : i32
      %dma_start3A_55 = tpu.memref_slice %arg5[%add3A_31, %dma_start3A_54] : memref<20480x144xf32, #tpu.memory_space<hbm>> -> memref<128x144xf32, #tpu.memory_space<hbm>>
      tpu.enqueue_dma source(%arg7 : memref<128x144xf32, #tpu.memory_space<vmem>>) target(%dma_start3A_55 : memref<128x144xf32, #tpu.memory_space<hbm>>) target_semaphore(%run_scoped3A : memref<!tpu.dma_semaphore, #tpu.memory_space<semaphore_mem>>)
      %dma_wait3A = arith.constant 0 : i32
      %dma_wait3A_56 = tpu.memref_slice %arg5[%add3A_31, %dma_wait3A] : memref<20480x144xf32, #tpu.memory_space<hbm>> -> memref<128x144xf32, #tpu.memory_space<hbm>>
      %dma_wait3A_57 = arith.constant 0 : i32
      %dma_wait3A_58 = tpu.memref_slice %arg5[%add3A_31, %dma_wait3A_57] : memref<20480x144xf32, #tpu.memory_space<hbm>> -> memref<128x144xf32, #tpu.memory_space<hbm>>
      tpu.wait_dma2 semaphore(%run_scoped3A : memref<!tpu.dma_semaphore, #tpu.memory_space<semaphore_mem>>) src(%arg7 : memref<128x144xf32, #tpu.memory_space<vmem>>) dst(%dma_wait3A_58 : memref<128x144xf32, #tpu.memory_space<hbm>>)
      tpu.yield
    }) : () -> ()
    %add3A_32 = arith.constant 256 : i32
    %add3A_33 = arith.addi %mul3A_0, %add3A_32 : i32
    "tpu.region"() ({
      %run_scoped3A = tpu.sem_alloc : memref<!tpu.dma_semaphore, #tpu.memory_space<semaphore_mem>>
      %dma_start3A = arith.constant 0 : i32
      %dma_start3A_53 = tpu.memref_slice %arg8[%add3A_33, %dma_start3A] : memref<10240x144xf32, #tpu.memory_space<vmem_shared>> -> memref<128x144xf32, #tpu.memory_space<vmem_shared>>
      %dma_start3A_54 = arith.constant 0 : i32
      %dma_start3A_55 = tpu.memref_slice %arg8[%add3A_33, %dma_start3A_54] : memref<10240x144xf32, #tpu.memory_space<vmem_shared>> -> memref<128x144xf32, #tpu.memory_space<vmem_shared>>
      tpu.enqueue_dma source(%dma_start3A_55 : memref<128x144xf32, #tpu.memory_space<vmem_shared>>) target(%arg7 : memref<128x144xf32, #tpu.memory_space<vmem>>) target_semaphore(%run_scoped3A : memref<!tpu.dma_semaphore, #tpu.memory_space<semaphore_mem>>)
      %dma_wait3A = arith.constant 0 : i32
      %dma_wait3A_56 = tpu.memref_slice %arg8[%add3A_33, %dma_wait3A] : memref<10240x144xf32, #tpu.memory_space<vmem_shared>> -> memref<128x144xf32, #tpu.memory_space<vmem_shared>>
      %dma_wait3A_57 = arith.constant 0 : i32
      %dma_wait3A_58 = tpu.memref_slice %arg8[%add3A_33, %dma_wait3A_57] : memref<10240x144xf32, #tpu.memory_space<vmem_shared>> -> memref<128x144xf32, #tpu.memory_space<vmem_shared>>
      tpu.wait_dma2 semaphore(%run_scoped3A : memref<!tpu.dma_semaphore, #tpu.memory_space<semaphore_mem>>) src(%dma_wait3A_58 : memref<128x144xf32, #tpu.memory_space<vmem_shared>>) dst(%arg7 : memref<128x144xf32, #tpu.memory_space<vmem>>)
      tpu.yield
    }) : () -> ()
    %mul3A_34 = arith.constant 10240 : i32
    %mul3A_35 = arith.muli %arg0, %mul3A_34 : i32
    %add3A_36 = arith.addi %mul3A_35, %mul3A_0 : i32
    %add3A_37 = arith.constant 256 : i32
    %add3A_38 = arith.addi %add3A_36, %add3A_37 : i32
    "tpu.region"() ({
      %run_scoped3A = tpu.sem_alloc : memref<!tpu.dma_semaphore, #tpu.memory_space<semaphore_mem>>
      %dma_start3A = arith.constant 0 : i32
      %dma_start3A_53 = tpu.memref_slice %arg5[%add3A_38, %dma_start3A] : memref<20480x144xf32, #tpu.memory_space<hbm>> -> memref<128x144xf32, #tpu.memory_space<hbm>>
      %dma_start3A_54 = arith.constant 0 : i32
      %dma_start3A_55 = tpu.memref_slice %arg5[%add3A_38, %dma_start3A_54] : memref<20480x144xf32, #tpu.memory_space<hbm>> -> memref<128x144xf32, #tpu.memory_space<hbm>>
      tpu.enqueue_dma source(%arg7 : memref<128x144xf32, #tpu.memory_space<vmem>>) target(%dma_start3A_55 : memref<128x144xf32, #tpu.memory_space<hbm>>) target_semaphore(%run_scoped3A : memref<!tpu.dma_semaphore, #tpu.memory_space<semaphore_mem>>)
      %dma_wait3A = arith.constant 0 : i32
      %dma_wait3A_56 = tpu.memref_slice %arg5[%add3A_38, %dma_wait3A] : memref<20480x144xf32, #tpu.memory_space<hbm>> -> memref<128x144xf32, #tpu.memory_space<hbm>>
      %dma_wait3A_57 = arith.constant 0 : i32
      %dma_wait3A_58 = tpu.memref_slice %arg5[%add3A_38, %dma_wait3A_57] : memref<20480x144xf32, #tpu.memory_space<hbm>> -> memref<128x144xf32, #tpu.memory_space<hbm>>
      tpu.wait_dma2 semaphore(%run_scoped3A : memref<!tpu.dma_semaphore, #tpu.memory_space<semaphore_mem>>) src(%arg7 : memref<128x144xf32, #tpu.memory_space<vmem>>) dst(%dma_wait3A_58 : memref<128x144xf32, #tpu.memory_space<hbm>>)
      tpu.yield
    }) : () -> ()
    %add3A_39 = arith.constant 384 : i32
    %add3A_40 = arith.addi %mul3A_0, %add3A_39 : i32
    "tpu.region"() ({
      %run_scoped3A = tpu.sem_alloc : memref<!tpu.dma_semaphore, #tpu.memory_space<semaphore_mem>>
      %dma_start3A = arith.constant 0 : i32
      %dma_start3A_53 = tpu.memref_slice %arg8[%add3A_40, %dma_start3A] : memref<10240x144xf32, #tpu.memory_space<vmem_shared>> -> memref<128x144xf32, #tpu.memory_space<vmem_shared>>
      %dma_start3A_54 = arith.constant 0 : i32
      %dma_start3A_55 = tpu.memref_slice %arg8[%add3A_40, %dma_start3A_54] : memref<10240x144xf32, #tpu.memory_space<vmem_shared>> -> memref<128x144xf32, #tpu.memory_space<vmem_shared>>
      tpu.enqueue_dma source(%dma_start3A_55 : memref<128x144xf32, #tpu.memory_space<vmem_shared>>) target(%arg7 : memref<128x144xf32, #tpu.memory_space<vmem>>) target_semaphore(%run_scoped3A : memref<!tpu.dma_semaphore, #tpu.memory_space<semaphore_mem>>)
      %dma_wait3A = arith.constant 0 : i32
      %dma_wait3A_56 = tpu.memref_slice %arg8[%add3A_40, %dma_wait3A] : memref<10240x144xf32, #tpu.memory_space<vmem_shared>> -> memref<128x144xf32, #tpu.memory_space<vmem_shared>>
      %dma_wait3A_57 = arith.constant 0 : i32
      %dma_wait3A_58 = tpu.memref_slice %arg8[%add3A_40, %dma_wait3A_57] : memref<10240x144xf32, #tpu.memory_space<vmem_shared>> -> memref<128x144xf32, #tpu.memory_space<vmem_shared>>
      tpu.wait_dma2 semaphore(%run_scoped3A : memref<!tpu.dma_semaphore, #tpu.memory_space<semaphore_mem>>) src(%dma_wait3A_58 : memref<128x144xf32, #tpu.memory_space<vmem_shared>>) dst(%arg7 : memref<128x144xf32, #tpu.memory_space<vmem>>)
      tpu.yield
    }) : () -> ()
    %mul3A_41 = arith.constant 10240 : i32
    %mul3A_42 = arith.muli %arg0, %mul3A_41 : i32
    %add3A_43 = arith.addi %mul3A_42, %mul3A_0 : i32
    %add3A_44 = arith.constant 384 : i32
    %add3A_45 = arith.addi %add3A_43, %add3A_44 : i32
    "tpu.region"() ({
      %run_scoped3A = tpu.sem_alloc : memref<!tpu.dma_semaphore, #tpu.memory_space<semaphore_mem>>
      %dma_start3A = arith.constant 0 : i32
      %dma_start3A_53 = tpu.memref_slice %arg5[%add3A_45, %dma_start3A] : memref<20480x144xf32, #tpu.memory_space<hbm>> -> memref<128x144xf32, #tpu.memory_space<hbm>>
      %dma_start3A_54 = arith.constant 0 : i32
      %dma_start3A_55 = tpu.memref_slice %arg5[%add3A_45, %dma_start3A_54] : memref<20480x144xf32, #tpu.memory_space<hbm>> -> memref<128x144xf32, #tpu.memory_space<hbm>>
      tpu.enqueue_dma source(%arg7 : memref<128x144xf32, #tpu.memory_space<vmem>>) target(%dma_start3A_55 : memref<128x144xf32, #tpu.memory_space<hbm>>) target_semaphore(%run_scoped3A : memref<!tpu.dma_semaphore, #tpu.memory_space<semaphore_mem>>)
      %dma_wait3A = arith.constant 0 : i32
      %dma_wait3A_56 = tpu.memref_slice %arg5[%add3A_45, %dma_wait3A] : memref<20480x144xf32, #tpu.memory_space<hbm>> -> memref<128x144xf32, #tpu.memory_space<hbm>>
      %dma_wait3A_57 = arith.constant 0 : i32
      %dma_wait3A_58 = tpu.memref_slice %arg5[%add3A_45, %dma_wait3A_57] : memref<20480x144xf32, #tpu.memory_space<hbm>> -> memref<128x144xf32, #tpu.memory_space<hbm>>
      tpu.wait_dma2 semaphore(%run_scoped3A : memref<!tpu.dma_semaphore, #tpu.memory_space<semaphore_mem>>) src(%arg7 : memref<128x144xf32, #tpu.memory_space<vmem>>) dst(%dma_wait3A_58 : memref<128x144xf32, #tpu.memory_space<hbm>>)
      tpu.yield
    }) : () -> ()
    %add3A_46 = arith.constant 512 : i32
    %add3A_47 = arith.addi %mul3A_0, %add3A_46 : i32
    "tpu.region"() ({
      %run_scoped3A = tpu.sem_alloc : memref<!tpu.dma_semaphore, #tpu.memory_space<semaphore_mem>>
      %dma_start3A = arith.constant 0 : i32
      %dma_start3A_53 = tpu.memref_slice %arg8[%add3A_47, %dma_start3A] : memref<10240x144xf32, #tpu.memory_space<vmem_shared>> -> memref<128x144xf32, #tpu.memory_space<vmem_shared>>
      %dma_start3A_54 = arith.constant 0 : i32
      %dma_start3A_55 = tpu.memref_slice %arg8[%add3A_47, %dma_start3A_54] : memref<10240x144xf32, #tpu.memory_space<vmem_shared>> -> memref<128x144xf32, #tpu.memory_space<vmem_shared>>
      tpu.enqueue_dma source(%dma_start3A_55 : memref<128x144xf32, #tpu.memory_space<vmem_shared>>) target(%arg7 : memref<128x144xf32, #tpu.memory_space<vmem>>) target_semaphore(%run_scoped3A : memref<!tpu.dma_semaphore, #tpu.memory_space<semaphore_mem>>)
      %dma_wait3A = arith.constant 0 : i32
      %dma_wait3A_56 = tpu.memref_slice %arg8[%add3A_47, %dma_wait3A] : memref<10240x144xf32, #tpu.memory_space<vmem_shared>> -> memref<128x144xf32, #tpu.memory_space<vmem_shared>>
      %dma_wait3A_57 = arith.constant 0 : i32
      %dma_wait3A_58 = tpu.memref_slice %arg8[%add3A_47, %dma_wait3A_57] : memref<10240x144xf32, #tpu.memory_space<vmem_shared>> -> memref<128x144xf32, #tpu.memory_space<vmem_shared>>
      tpu.wait_dma2 semaphore(%run_scoped3A : memref<!tpu.dma_semaphore, #tpu.memory_space<semaphore_mem>>) src(%dma_wait3A_58 : memref<128x144xf32, #tpu.memory_space<vmem_shared>>) dst(%arg7 : memref<128x144xf32, #tpu.memory_space<vmem>>)
      tpu.yield
    }) : () -> ()
    %mul3A_48 = arith.constant 10240 : i32
    %mul3A_49 = arith.muli %arg0, %mul3A_48 : i32
    %add3A_50 = arith.addi %mul3A_49, %mul3A_0 : i32
    %add3A_51 = arith.constant 512 : i32
    %add3A_52 = arith.addi %add3A_50, %add3A_51 : i32
    "tpu.region"() ({
      %run_scoped3A = tpu.sem_alloc : memref<!tpu.dma_semaphore, #tpu.memory_space<semaphore_mem>>
      %dma_start3A = arith.constant 0 : i32
      %dma_start3A_53 = tpu.memref_slice %arg5[%add3A_52, %dma_start3A] : memref<20480x144xf32, #tpu.memory_space<hbm>> -> memref<128x144xf32, #tpu.memory_space<hbm>>
      %dma_start3A_54 = arith.constant 0 : i32
      %dma_start3A_55 = tpu.memref_slice %arg5[%add3A_52, %dma_start3A_54] : memref<20480x144xf32, #tpu.memory_space<hbm>> -> memref<128x144xf32, #tpu.memory_space<hbm>>
      tpu.enqueue_dma source(%arg7 : memref<128x144xf32, #tpu.memory_space<vmem>>) target(%dma_start3A_55 : memref<128x144xf32, #tpu.memory_space<hbm>>) target_semaphore(%run_scoped3A : memref<!tpu.dma_semaphore, #tpu.memory_space<semaphore_mem>>)
      %dma_wait3A = arith.constant 0 : i32
      %dma_wait3A_56 = tpu.memref_slice %arg5[%add3A_52, %dma_wait3A] : memref<20480x144xf32, #tpu.memory_space<hbm>> -> memref<128x144xf32, #tpu.memory_space<hbm>>
      %dma_wait3A_57 = arith.constant 0 : i32
      %dma_wait3A_58 = tpu.memref_slice %arg5[%add3A_52, %dma_wait3A_57] : memref<20480x144xf32, #tpu.memory_space<hbm>> -> memref<128x144xf32, #tpu.memory_space<hbm>>
      tpu.wait_dma2 semaphore(%run_scoped3A : memref<!tpu.dma_semaphore, #tpu.memory_space<semaphore_mem>>) src(%arg7 : memref<128x144xf32, #tpu.memory_space<vmem>>) dst(%dma_wait3A_58 : memref<128x144xf32, #tpu.memory_space<hbm>>)
      tpu.yield
    }) : () -> ()
    return
  }
}

#map = affine_map<(d0, d1) -> (0, 0)>
module attributes {stable_mosaic.version = 14 : i64} {
  func.func @sc_kernel(%arg0: i32, %arg1: i32, %arg2: memref<10240x80xf32, #tpu.memory_space<hbm>>, %arg3: memref<2x321536xi32, #tpu.memory_space<hbm>>, %arg4: memref<128x80xf32, #tpu.memory_space<hbm>>, %arg5: memref<20480x80xf32, #tpu.memory_space<hbm>>, %arg6: memref<2x128xi32, #tpu.memory_space<vmem>>, %arg7: memref<128x80xf32, #tpu.memory_space<vmem>>, %arg8: memref<10240x80xf32, #tpu.memory_space<vmem_shared>>, %arg9: memref<!tpu.dma_semaphore, #tpu.memory_space<semaphore_mem>>) attributes {dimension_semantics = [#tpu.dimension_semantics<core_parallel>, #tpu.dimension_semantics<subcore_parallel>], iteration_bounds = array<i64: 2, 16>, scalar_prefetch = 0 : i64, scratch_operands = 4 : i64, tpu.core_type = #tpu.core_type<sc_vector_subcore>, window_params = [{transform_indices = #map}, {transform_indices = #map}, {transform_indices = #map}, {transform_indices = #map}]} {
    %mul3A = arith.constant 640 : i32
    %mul3A_0 = arith.muli %arg1, %mul3A : i32
    "tpu.region"() ({
      %run_scoped3A = tpu.sem_alloc : memref<!tpu.dma_semaphore, #tpu.memory_space<semaphore_mem>>
      tpu.enqueue_dma source(%arg4 : memref<128x80xf32, #tpu.memory_space<hbm>>) target(%arg7 : memref<128x80xf32, #tpu.memory_space<vmem>>) target_semaphore(%run_scoped3A : memref<!tpu.dma_semaphore, #tpu.memory_space<semaphore_mem>>)
      tpu.wait_dma2 semaphore(%run_scoped3A : memref<!tpu.dma_semaphore, #tpu.memory_space<semaphore_mem>>) src(%arg4 : memref<128x80xf32, #tpu.memory_space<hbm>>) dst(%arg7 : memref<128x80xf32, #tpu.memory_space<vmem>>)
      tpu.yield
    }) : () -> ()
    %add3A = arith.constant 0 : i32
    %add3A_1 = arith.addi %mul3A_0, %add3A : i32
    "tpu.region"() ({
      %run_scoped3A = tpu.sem_alloc : memref<!tpu.dma_semaphore, #tpu.memory_space<semaphore_mem>>
      %dma_start3A = arith.constant 0 : i32
      %dma_start3A_53 = tpu.memref_slice %arg8[%add3A_1, %dma_start3A] : memref<10240x80xf32, #tpu.memory_space<vmem_shared>> -> memref<128x80xf32, #tpu.memory_space<vmem_shared>>
      %dma_start3A_54 = arith.constant 0 : i32
      %dma_start3A_55 = tpu.memref_slice %arg8[%add3A_1, %dma_start3A_54] : memref<10240x80xf32, #tpu.memory_space<vmem_shared>> -> memref<128x80xf32, #tpu.memory_space<vmem_shared>>
      tpu.enqueue_dma source(%arg7 : memref<128x80xf32, #tpu.memory_space<vmem>>) target(%dma_start3A_55 : memref<128x80xf32, #tpu.memory_space<vmem_shared>>) target_semaphore(%run_scoped3A : memref<!tpu.dma_semaphore, #tpu.memory_space<semaphore_mem>>)
      %dma_wait3A = arith.constant 0 : i32
      %dma_wait3A_56 = tpu.memref_slice %arg8[%add3A_1, %dma_wait3A] : memref<10240x80xf32, #tpu.memory_space<vmem_shared>> -> memref<128x80xf32, #tpu.memory_space<vmem_shared>>
      %dma_wait3A_57 = arith.constant 0 : i32
      %dma_wait3A_58 = tpu.memref_slice %arg8[%add3A_1, %dma_wait3A_57] : memref<10240x80xf32, #tpu.memory_space<vmem_shared>> -> memref<128x80xf32, #tpu.memory_space<vmem_shared>>
      tpu.wait_dma2 semaphore(%run_scoped3A : memref<!tpu.dma_semaphore, #tpu.memory_space<semaphore_mem>>) src(%arg7 : memref<128x80xf32, #tpu.memory_space<vmem>>) dst(%dma_wait3A_58 : memref<128x80xf32, #tpu.memory_space<vmem_shared>>)
      tpu.yield
    }) : () -> ()
    %add3A_2 = arith.constant 128 : i32
    %add3A_3 = arith.addi %mul3A_0, %add3A_2 : i32
    "tpu.region"() ({
      %run_scoped3A = tpu.sem_alloc : memref<!tpu.dma_semaphore, #tpu.memory_space<semaphore_mem>>
      %dma_start3A = arith.constant 0 : i32
      %dma_start3A_53 = tpu.memref_slice %arg8[%add3A_3, %dma_start3A] : memref<10240x80xf32, #tpu.memory_space<vmem_shared>> -> memref<128x80xf32, #tpu.memory_space<vmem_shared>>
      %dma_start3A_54 = arith.constant 0 : i32
      %dma_start3A_55 = tpu.memref_slice %arg8[%add3A_3, %dma_start3A_54] : memref<10240x80xf32, #tpu.memory_space<vmem_shared>> -> memref<128x80xf32, #tpu.memory_space<vmem_shared>>
      tpu.enqueue_dma source(%arg7 : memref<128x80xf32, #tpu.memory_space<vmem>>) target(%dma_start3A_55 : memref<128x80xf32, #tpu.memory_space<vmem_shared>>) target_semaphore(%run_scoped3A : memref<!tpu.dma_semaphore, #tpu.memory_space<semaphore_mem>>)
      %dma_wait3A = arith.constant 0 : i32
      %dma_wait3A_56 = tpu.memref_slice %arg8[%add3A_3, %dma_wait3A] : memref<10240x80xf32, #tpu.memory_space<vmem_shared>> -> memref<128x80xf32, #tpu.memory_space<vmem_shared>>
      %dma_wait3A_57 = arith.constant 0 : i32
      %dma_wait3A_58 = tpu.memref_slice %arg8[%add3A_3, %dma_wait3A_57] : memref<10240x80xf32, #tpu.memory_space<vmem_shared>> -> memref<128x80xf32, #tpu.memory_space<vmem_shared>>
      tpu.wait_dma2 semaphore(%run_scoped3A : memref<!tpu.dma_semaphore, #tpu.memory_space<semaphore_mem>>) src(%arg7 : memref<128x80xf32, #tpu.memory_space<vmem>>) dst(%dma_wait3A_58 : memref<128x80xf32, #tpu.memory_space<vmem_shared>>)
      tpu.yield
    }) : () -> ()
    %add3A_4 = arith.constant 256 : i32
    %add3A_5 = arith.addi %mul3A_0, %add3A_4 : i32
    "tpu.region"() ({
      %run_scoped3A = tpu.sem_alloc : memref<!tpu.dma_semaphore, #tpu.memory_space<semaphore_mem>>
      %dma_start3A = arith.constant 0 : i32
      %dma_start3A_53 = tpu.memref_slice %arg8[%add3A_5, %dma_start3A] : memref<10240x80xf32, #tpu.memory_space<vmem_shared>> -> memref<128x80xf32, #tpu.memory_space<vmem_shared>>
      %dma_start3A_54 = arith.constant 0 : i32
      %dma_start3A_55 = tpu.memref_slice %arg8[%add3A_5, %dma_start3A_54] : memref<10240x80xf32, #tpu.memory_space<vmem_shared>> -> memref<128x80xf32, #tpu.memory_space<vmem_shared>>
      tpu.enqueue_dma source(%arg7 : memref<128x80xf32, #tpu.memory_space<vmem>>) target(%dma_start3A_55 : memref<128x80xf32, #tpu.memory_space<vmem_shared>>) target_semaphore(%run_scoped3A : memref<!tpu.dma_semaphore, #tpu.memory_space<semaphore_mem>>)
      %dma_wait3A = arith.constant 0 : i32
      %dma_wait3A_56 = tpu.memref_slice %arg8[%add3A_5, %dma_wait3A] : memref<10240x80xf32, #tpu.memory_space<vmem_shared>> -> memref<128x80xf32, #tpu.memory_space<vmem_shared>>
      %dma_wait3A_57 = arith.constant 0 : i32
      %dma_wait3A_58 = tpu.memref_slice %arg8[%add3A_5, %dma_wait3A_57] : memref<10240x80xf32, #tpu.memory_space<vmem_shared>> -> memref<128x80xf32, #tpu.memory_space<vmem_shared>>
      tpu.wait_dma2 semaphore(%run_scoped3A : memref<!tpu.dma_semaphore, #tpu.memory_space<semaphore_mem>>) src(%arg7 : memref<128x80xf32, #tpu.memory_space<vmem>>) dst(%dma_wait3A_58 : memref<128x80xf32, #tpu.memory_space<vmem_shared>>)
      tpu.yield
    }) : () -> ()
    %add3A_6 = arith.constant 384 : i32
    %add3A_7 = arith.addi %mul3A_0, %add3A_6 : i32
    "tpu.region"() ({
      %run_scoped3A = tpu.sem_alloc : memref<!tpu.dma_semaphore, #tpu.memory_space<semaphore_mem>>
      %dma_start3A = arith.constant 0 : i32
      %dma_start3A_53 = tpu.memref_slice %arg8[%add3A_7, %dma_start3A] : memref<10240x80xf32, #tpu.memory_space<vmem_shared>> -> memref<128x80xf32, #tpu.memory_space<vmem_shared>>
      %dma_start3A_54 = arith.constant 0 : i32
      %dma_start3A_55 = tpu.memref_slice %arg8[%add3A_7, %dma_start3A_54] : memref<10240x80xf32, #tpu.memory_space<vmem_shared>> -> memref<128x80xf32, #tpu.memory_space<vmem_shared>>
      tpu.enqueue_dma source(%arg7 : memref<128x80xf32, #tpu.memory_space<vmem>>) target(%dma_start3A_55 : memref<128x80xf32, #tpu.memory_space<vmem_shared>>) target_semaphore(%run_scoped3A : memref<!tpu.dma_semaphore, #tpu.memory_space<semaphore_mem>>)
      %dma_wait3A = arith.constant 0 : i32
      %dma_wait3A_56 = tpu.memref_slice %arg8[%add3A_7, %dma_wait3A] : memref<10240x80xf32, #tpu.memory_space<vmem_shared>> -> memref<128x80xf32, #tpu.memory_space<vmem_shared>>
      %dma_wait3A_57 = arith.constant 0 : i32
      %dma_wait3A_58 = tpu.memref_slice %arg8[%add3A_7, %dma_wait3A_57] : memref<10240x80xf32, #tpu.memory_space<vmem_shared>> -> memref<128x80xf32, #tpu.memory_space<vmem_shared>>
      tpu.wait_dma2 semaphore(%run_scoped3A : memref<!tpu.dma_semaphore, #tpu.memory_space<semaphore_mem>>) src(%arg7 : memref<128x80xf32, #tpu.memory_space<vmem>>) dst(%dma_wait3A_58 : memref<128x80xf32, #tpu.memory_space<vmem_shared>>)
      tpu.yield
    }) : () -> ()
    %add3A_8 = arith.constant 512 : i32
    %add3A_9 = arith.addi %mul3A_0, %add3A_8 : i32
    "tpu.region"() ({
      %run_scoped3A = tpu.sem_alloc : memref<!tpu.dma_semaphore, #tpu.memory_space<semaphore_mem>>
      %dma_start3A = arith.constant 0 : i32
      %dma_start3A_53 = tpu.memref_slice %arg8[%add3A_9, %dma_start3A] : memref<10240x80xf32, #tpu.memory_space<vmem_shared>> -> memref<128x80xf32, #tpu.memory_space<vmem_shared>>
      %dma_start3A_54 = arith.constant 0 : i32
      %dma_start3A_55 = tpu.memref_slice %arg8[%add3A_9, %dma_start3A_54] : memref<10240x80xf32, #tpu.memory_space<vmem_shared>> -> memref<128x80xf32, #tpu.memory_space<vmem_shared>>
      tpu.enqueue_dma source(%arg7 : memref<128x80xf32, #tpu.memory_space<vmem>>) target(%dma_start3A_55 : memref<128x80xf32, #tpu.memory_space<vmem_shared>>) target_semaphore(%run_scoped3A : memref<!tpu.dma_semaphore, #tpu.memory_space<semaphore_mem>>)
      %dma_wait3A = arith.constant 0 : i32
      %dma_wait3A_56 = tpu.memref_slice %arg8[%add3A_9, %dma_wait3A] : memref<10240x80xf32, #tpu.memory_space<vmem_shared>> -> memref<128x80xf32, #tpu.memory_space<vmem_shared>>
      %dma_wait3A_57 = arith.constant 0 : i32
      %dma_wait3A_58 = tpu.memref_slice %arg8[%add3A_9, %dma_wait3A_57] : memref<10240x80xf32, #tpu.memory_space<vmem_shared>> -> memref<128x80xf32, #tpu.memory_space<vmem_shared>>
      tpu.wait_dma2 semaphore(%run_scoped3A : memref<!tpu.dma_semaphore, #tpu.memory_space<semaphore_mem>>) src(%arg7 : memref<128x80xf32, #tpu.memory_space<vmem>>) dst(%dma_wait3A_58 : memref<128x80xf32, #tpu.memory_space<vmem_shared>>)
      tpu.yield
    }) : () -> ()
    %barrier3A = arith.constant 0 : index
    tpu.barrier barrier_id(%barrier3A)
    %eq3A = arith.constant 0 : i32
    %eq3A_10 = arith.cmpi eq, %arg0, %eq3A : i32
    %convert_element_type3A = arith.extui %eq3A_10 : i1 to i32
    %cond3A = arith.constant 0 : i32
    %cond3A_11 = arith.cmpi ne, %convert_element_type3A, %cond3A : i32
    scf.if %cond3A_11 {
      %scan3A = arith.constant 0 : i32
      %scan3A_53 = arith.constant 0 : i32
      %scan3A_54 = arith.constant 96 : i32
      %scan3A_55 = arith.addi %scan3A_53, %scan3A_54 : i32
      %scan3A_56 = arith.constant 1 : i32
      scf.for %scan3A_58 = %scan3A_53 to %scan3A_55 step %scan3A_56  : i32 {
        %mul3A_59 = arith.constant 96 : i32
        %mul3A_60 = arith.muli %arg1, %mul3A_59 : i32
        %add3A_61 = arith.addi %mul3A_60, %scan3A_58 : i32
        %mul3A_62 = arith.constant 128 : i32
        %mul3A_63 = arith.muli %add3A_61, %mul3A_62 : i32
        "tpu.region"() ({
          %run_scoped3A_76 = tpu.sem_alloc : memref<!tpu.dma_semaphore, #tpu.memory_space<semaphore_mem>>
          %dma_start3A_77 = arith.constant 0 : i32
          %dma_start3A_78 = tpu.memref_slice %arg3[%dma_start3A_77, %mul3A_63] : memref<2x321536xi32, #tpu.memory_space<hbm>> -> memref<2x128xi32, #tpu.memory_space<hbm>>
          %dma_start3A_79 = arith.constant 0 : i32
          %dma_start3A_80 = tpu.memref_slice %arg3[%dma_start3A_79, %mul3A_63] : memref<2x321536xi32, #tpu.memory_space<hbm>> -> memref<2x128xi32, #tpu.memory_space<hbm>>
          tpu.enqueue_dma source(%dma_start3A_80 : memref<2x128xi32, #tpu.memory_space<hbm>>) target(%arg6 : memref<2x128xi32, #tpu.memory_space<vmem>>) target_semaphore(%run_scoped3A_76 : memref<!tpu.dma_semaphore, #tpu.memory_space<semaphore_mem>>)
          %dma_wait3A_81 = arith.constant 0 : i32
          %dma_wait3A_82 = tpu.memref_slice %arg3[%dma_wait3A_81, %mul3A_63] : memref<2x321536xi32, #tpu.memory_space<hbm>> -> memref<2x128xi32, #tpu.memory_space<hbm>>
          %dma_wait3A_83 = arith.constant 0 : i32
          %dma_wait3A_84 = tpu.memref_slice %arg3[%dma_wait3A_83, %mul3A_63] : memref<2x321536xi32, #tpu.memory_space<hbm>> -> memref<2x128xi32, #tpu.memory_space<hbm>>
          tpu.wait_dma2 semaphore(%run_scoped3A_76 : memref<!tpu.dma_semaphore, #tpu.memory_space<semaphore_mem>>) src(%dma_wait3A_84 : memref<2x128xi32, #tpu.memory_space<hbm>>) dst(%arg6 : memref<2x128xi32, #tpu.memory_space<vmem>>)
          tpu.yield
        }) : () -> ()
        %dma_start3A = arith.constant 0 : i32
        %dma_start3A_64 = arith.constant 0 : i32
        %dma_start3A_65 = tpu.memref_slice %arg6[%dma_start3A, %dma_start3A_64] : memref<2x128xi32, #tpu.memory_space<vmem>> -> memref<1x128xi32, #tpu.memory_space<vmem>>
        %dma_start3A_66 = tpu.memref_squeeze %dma_start3A_65 : memref<1x128xi32, #tpu.memory_space<vmem>> -> memref<128xi32, #tpu.memory_space<vmem>>
        %dma_start3A_67 = arith.constant 0 : i32
        %dma_start3A_68 = arith.constant 0 : i32
        %dma_start3A_69 = tpu.memref_slice %arg2[%dma_start3A_67, %dma_start3A_68] : memref<10240x80xf32, #tpu.memory_space<hbm>> -> memref<10240x80xf32, #tpu.memory_space<hbm>>
        tpu.enqueue_indirect_dma source(%dma_start3A_69 : memref<10240x80xf32, #tpu.memory_space<hbm>>) target(%arg7 : memref<128x80xf32, #tpu.memory_space<vmem>>) offsets(%dma_start3A_66 : memref<128xi32, #tpu.memory_space<vmem>>) semaphore(%arg9 : memref<!tpu.dma_semaphore, #tpu.memory_space<semaphore_mem>>)
        %dma_wait3A = arith.constant 0 : i32
        %dma_wait3A_70 = arith.constant 0 : i32
        %dma_wait3A_71 = tpu.memref_slice %arg6[%dma_wait3A, %dma_wait3A_70] : memref<2x128xi32, #tpu.memory_space<vmem>> -> memref<1x128xi32, #tpu.memory_space<vmem>>
        %dma_wait3A_72 = tpu.memref_squeeze %dma_wait3A_71 : memref<1x128xi32, #tpu.memory_space<vmem>> -> memref<128xi32, #tpu.memory_space<vmem>>
        %dma_wait3A_73 = arith.constant 0 : i32
        %dma_wait3A_74 = arith.constant 0 : i32
        %dma_wait3A_75 = tpu.memref_slice %arg2[%dma_wait3A_73, %dma_wait3A_74] : memref<10240x80xf32, #tpu.memory_space<hbm>> -> memref<10240x80xf32, #tpu.memory_space<hbm>>
        tpu.wait_indirect_dma semaphore(%arg9 : memref<!tpu.dma_semaphore, #tpu.memory_space<semaphore_mem>>) src(%dma_wait3A_75 : memref<10240x80xf32, #tpu.memory_space<hbm>>) dst(%arg7 : memref<128x80xf32, #tpu.memory_space<vmem>>)
        %run_scoped3A = arith.constant 1 : i32
        "tpu.region"() ({
          %run_scoped3A_76 = tpu.sem_alloc : memref<!tpu.dma_semaphore, #tpu.memory_space<semaphore_mem>>
          %dma_start3A_77 = arith.constant 0 : i32
          %dma_start3A_78 = tpu.memref_slice %arg6[%run_scoped3A, %dma_start3A_77] : memref<2x128xi32, #tpu.memory_space<vmem>> -> memref<1x128xi32, #tpu.memory_space<vmem>>
          %dma_start3A_79 = tpu.memref_squeeze %dma_start3A_78 : memref<1x128xi32, #tpu.memory_space<vmem>> -> memref<128xi32, #tpu.memory_space<vmem>>
          %dma_start3A_80 = arith.constant 0 : i32
          %dma_start3A_81 = arith.constant 0 : i32
          %dma_start3A_82 = tpu.memref_slice %arg8[%dma_start3A_80, %dma_start3A_81] : memref<10240x80xf32, #tpu.memory_space<vmem_shared>> -> memref<10240x80xf32, #tpu.memory_space<vmem_shared>>
          tpu.enqueue_indirect_dma source(%arg7 : memref<128x80xf32, #tpu.memory_space<vmem>>) target(%dma_start3A_82 : memref<10240x80xf32, #tpu.memory_space<vmem_shared>>) offsets(%dma_start3A_79 : memref<128xi32, #tpu.memory_space<vmem>>) semaphore(%run_scoped3A_76 : memref<!tpu.dma_semaphore, #tpu.memory_space<semaphore_mem>>) {add = true}
          %dma_wait3A_83 = arith.constant 0 : i32
          %dma_wait3A_84 = tpu.memref_slice %arg6[%run_scoped3A, %dma_wait3A_83] : memref<2x128xi32, #tpu.memory_space<vmem>> -> memref<1x128xi32, #tpu.memory_space<vmem>>
          %dma_wait3A_85 = tpu.memref_squeeze %dma_wait3A_84 : memref<1x128xi32, #tpu.memory_space<vmem>> -> memref<128xi32, #tpu.memory_space<vmem>>
          %dma_wait3A_86 = arith.constant 0 : i32
          %dma_wait3A_87 = arith.constant 0 : i32
          %dma_wait3A_88 = tpu.memref_slice %arg8[%dma_wait3A_86, %dma_wait3A_87] : memref<10240x80xf32, #tpu.memory_space<vmem_shared>> -> memref<10240x80xf32, #tpu.memory_space<vmem_shared>>
          tpu.wait_indirect_dma semaphore(%run_scoped3A_76 : memref<!tpu.dma_semaphore, #tpu.memory_space<semaphore_mem>>) src(%arg7 : memref<128x80xf32, #tpu.memory_space<vmem>>) dst(%dma_wait3A_88 : memref<10240x80xf32, #tpu.memory_space<vmem_shared>>)
          tpu.yield
        }) : () -> ()
      }
      %scan3A_57 = arith.constant 96 : i32
    } else {
    }
    %eq3A_12 = arith.constant 1 : i32
    %eq3A_13 = arith.cmpi eq, %arg0, %eq3A_12 : i32
    %convert_element_type3A_14 = arith.extui %eq3A_13 : i1 to i32
    %cond3A_15 = arith.constant 0 : i32
    %cond3A_16 = arith.cmpi ne, %convert_element_type3A_14, %cond3A_15 : i32
    scf.if %cond3A_16 {
      %scan3A = arith.constant 0 : i32
      %scan3A_53 = arith.constant 0 : i32
      %scan3A_54 = arith.constant 61 : i32
      %scan3A_55 = arith.addi %scan3A_53, %scan3A_54 : i32
      %scan3A_56 = arith.constant 1 : i32
      scf.for %scan3A_58 = %scan3A_53 to %scan3A_55 step %scan3A_56  : i32 {
        %mul3A_59 = arith.constant 61 : i32
        %mul3A_60 = arith.muli %arg1, %mul3A_59 : i32
        %add3A_61 = arith.constant 1536 : i32
        %add3A_62 = arith.addi %add3A_61, %mul3A_60 : i32
        %add3A_63 = arith.addi %add3A_62, %scan3A_58 : i32
        %mul3A_64 = arith.constant 128 : i32
        %mul3A_65 = arith.muli %add3A_63, %mul3A_64 : i32
        "tpu.region"() ({
          %run_scoped3A_78 = tpu.sem_alloc : memref<!tpu.dma_semaphore, #tpu.memory_space<semaphore_mem>>
          %dma_start3A_79 = arith.constant 0 : i32
          %dma_start3A_80 = tpu.memref_slice %arg3[%dma_start3A_79, %mul3A_65] : memref<2x321536xi32, #tpu.memory_space<hbm>> -> memref<2x128xi32, #tpu.memory_space<hbm>>
          %dma_start3A_81 = arith.constant 0 : i32
          %dma_start3A_82 = tpu.memref_slice %arg3[%dma_start3A_81, %mul3A_65] : memref<2x321536xi32, #tpu.memory_space<hbm>> -> memref<2x128xi32, #tpu.memory_space<hbm>>
          tpu.enqueue_dma source(%dma_start3A_82 : memref<2x128xi32, #tpu.memory_space<hbm>>) target(%arg6 : memref<2x128xi32, #tpu.memory_space<vmem>>) target_semaphore(%run_scoped3A_78 : memref<!tpu.dma_semaphore, #tpu.memory_space<semaphore_mem>>)
          %dma_wait3A_83 = arith.constant 0 : i32
          %dma_wait3A_84 = tpu.memref_slice %arg3[%dma_wait3A_83, %mul3A_65] : memref<2x321536xi32, #tpu.memory_space<hbm>> -> memref<2x128xi32, #tpu.memory_space<hbm>>
          %dma_wait3A_85 = arith.constant 0 : i32
          %dma_wait3A_86 = tpu.memref_slice %arg3[%dma_wait3A_85, %mul3A_65] : memref<2x321536xi32, #tpu.memory_space<hbm>> -> memref<2x128xi32, #tpu.memory_space<hbm>>
          tpu.wait_dma2 semaphore(%run_scoped3A_78 : memref<!tpu.dma_semaphore, #tpu.memory_space<semaphore_mem>>) src(%dma_wait3A_86 : memref<2x128xi32, #tpu.memory_space<hbm>>) dst(%arg6 : memref<2x128xi32, #tpu.memory_space<vmem>>)
          tpu.yield
        }) : () -> ()
        %dma_start3A = arith.constant 0 : i32
        %dma_start3A_66 = arith.constant 0 : i32
        %dma_start3A_67 = tpu.memref_slice %arg6[%dma_start3A, %dma_start3A_66] : memref<2x128xi32, #tpu.memory_space<vmem>> -> memref<1x128xi32, #tpu.memory_space<vmem>>
        %dma_start3A_68 = tpu.memref_squeeze %dma_start3A_67 : memref<1x128xi32, #tpu.memory_space<vmem>> -> memref<128xi32, #tpu.memory_space<vmem>>
        %dma_start3A_69 = arith.constant 0 : i32
        %dma_start3A_70 = arith.constant 0 : i32
        %dma_start3A_71 = tpu.memref_slice %arg2[%dma_start3A_69, %dma_start3A_70] : memref<10240x80xf32, #tpu.memory_space<hbm>> -> memref<10240x80xf32, #tpu.memory_space<hbm>>
        tpu.enqueue_indirect_dma source(%dma_start3A_71 : memref<10240x80xf32, #tpu.memory_space<hbm>>) target(%arg7 : memref<128x80xf32, #tpu.memory_space<vmem>>) offsets(%dma_start3A_68 : memref<128xi32, #tpu.memory_space<vmem>>) semaphore(%arg9 : memref<!tpu.dma_semaphore, #tpu.memory_space<semaphore_mem>>)
        %dma_wait3A = arith.constant 0 : i32
        %dma_wait3A_72 = arith.constant 0 : i32
        %dma_wait3A_73 = tpu.memref_slice %arg6[%dma_wait3A, %dma_wait3A_72] : memref<2x128xi32, #tpu.memory_space<vmem>> -> memref<1x128xi32, #tpu.memory_space<vmem>>
        %dma_wait3A_74 = tpu.memref_squeeze %dma_wait3A_73 : memref<1x128xi32, #tpu.memory_space<vmem>> -> memref<128xi32, #tpu.memory_space<vmem>>
        %dma_wait3A_75 = arith.constant 0 : i32
        %dma_wait3A_76 = arith.constant 0 : i32
        %dma_wait3A_77 = tpu.memref_slice %arg2[%dma_wait3A_75, %dma_wait3A_76] : memref<10240x80xf32, #tpu.memory_space<hbm>> -> memref<10240x80xf32, #tpu.memory_space<hbm>>
        tpu.wait_indirect_dma semaphore(%arg9 : memref<!tpu.dma_semaphore, #tpu.memory_space<semaphore_mem>>) src(%dma_wait3A_77 : memref<10240x80xf32, #tpu.memory_space<hbm>>) dst(%arg7 : memref<128x80xf32, #tpu.memory_space<vmem>>)
        %run_scoped3A = arith.constant 1 : i32
        "tpu.region"() ({
          %run_scoped3A_78 = tpu.sem_alloc : memref<!tpu.dma_semaphore, #tpu.memory_space<semaphore_mem>>
          %dma_start3A_79 = arith.constant 0 : i32
          %dma_start3A_80 = tpu.memref_slice %arg6[%run_scoped3A, %dma_start3A_79] : memref<2x128xi32, #tpu.memory_space<vmem>> -> memref<1x128xi32, #tpu.memory_space<vmem>>
          %dma_start3A_81 = tpu.memref_squeeze %dma_start3A_80 : memref<1x128xi32, #tpu.memory_space<vmem>> -> memref<128xi32, #tpu.memory_space<vmem>>
          %dma_start3A_82 = arith.constant 0 : i32
          %dma_start3A_83 = arith.constant 0 : i32
          %dma_start3A_84 = tpu.memref_slice %arg8[%dma_start3A_82, %dma_start3A_83] : memref<10240x80xf32, #tpu.memory_space<vmem_shared>> -> memref<10240x80xf32, #tpu.memory_space<vmem_shared>>
          tpu.enqueue_indirect_dma source(%arg7 : memref<128x80xf32, #tpu.memory_space<vmem>>) target(%dma_start3A_84 : memref<10240x80xf32, #tpu.memory_space<vmem_shared>>) offsets(%dma_start3A_81 : memref<128xi32, #tpu.memory_space<vmem>>) semaphore(%run_scoped3A_78 : memref<!tpu.dma_semaphore, #tpu.memory_space<semaphore_mem>>) {add = true}
          %dma_wait3A_85 = arith.constant 0 : i32
          %dma_wait3A_86 = tpu.memref_slice %arg6[%run_scoped3A, %dma_wait3A_85] : memref<2x128xi32, #tpu.memory_space<vmem>> -> memref<1x128xi32, #tpu.memory_space<vmem>>
          %dma_wait3A_87 = tpu.memref_squeeze %dma_wait3A_86 : memref<1x128xi32, #tpu.memory_space<vmem>> -> memref<128xi32, #tpu.memory_space<vmem>>
          %dma_wait3A_88 = arith.constant 0 : i32
          %dma_wait3A_89 = arith.constant 0 : i32
          %dma_wait3A_90 = tpu.memref_slice %arg8[%dma_wait3A_88, %dma_wait3A_89] : memref<10240x80xf32, #tpu.memory_space<vmem_shared>> -> memref<10240x80xf32, #tpu.memory_space<vmem_shared>>
          tpu.wait_indirect_dma semaphore(%run_scoped3A_78 : memref<!tpu.dma_semaphore, #tpu.memory_space<semaphore_mem>>) src(%arg7 : memref<128x80xf32, #tpu.memory_space<vmem>>) dst(%dma_wait3A_90 : memref<10240x80xf32, #tpu.memory_space<vmem_shared>>)
          tpu.yield
        }) : () -> ()
      }
      %scan3A_57 = arith.constant 61 : i32
    } else {
    }
    %barrier3A_17 = arith.constant 0 : index
    tpu.barrier barrier_id(%barrier3A_17)
    %add3A_18 = arith.constant 0 : i32
    %add3A_19 = arith.addi %mul3A_0, %add3A_18 : i32
    "tpu.region"() ({
      %run_scoped3A = tpu.sem_alloc : memref<!tpu.dma_semaphore, #tpu.memory_space<semaphore_mem>>
      %dma_start3A = arith.constant 0 : i32
      %dma_start3A_53 = tpu.memref_slice %arg8[%add3A_19, %dma_start3A] : memref<10240x80xf32, #tpu.memory_space<vmem_shared>> -> memref<128x80xf32, #tpu.memory_space<vmem_shared>>
      %dma_start3A_54 = arith.constant 0 : i32
      %dma_start3A_55 = tpu.memref_slice %arg8[%add3A_19, %dma_start3A_54] : memref<10240x80xf32, #tpu.memory_space<vmem_shared>> -> memref<128x80xf32, #tpu.memory_space<vmem_shared>>
      tpu.enqueue_dma source(%dma_start3A_55 : memref<128x80xf32, #tpu.memory_space<vmem_shared>>) target(%arg7 : memref<128x80xf32, #tpu.memory_space<vmem>>) target_semaphore(%run_scoped3A : memref<!tpu.dma_semaphore, #tpu.memory_space<semaphore_mem>>)
      %dma_wait3A = arith.constant 0 : i32
      %dma_wait3A_56 = tpu.memref_slice %arg8[%add3A_19, %dma_wait3A] : memref<10240x80xf32, #tpu.memory_space<vmem_shared>> -> memref<128x80xf32, #tpu.memory_space<vmem_shared>>
      %dma_wait3A_57 = arith.constant 0 : i32
      %dma_wait3A_58 = tpu.memref_slice %arg8[%add3A_19, %dma_wait3A_57] : memref<10240x80xf32, #tpu.memory_space<vmem_shared>> -> memref<128x80xf32, #tpu.memory_space<vmem_shared>>
      tpu.wait_dma2 semaphore(%run_scoped3A : memref<!tpu.dma_semaphore, #tpu.memory_space<semaphore_mem>>) src(%dma_wait3A_58 : memref<128x80xf32, #tpu.memory_space<vmem_shared>>) dst(%arg7 : memref<128x80xf32, #tpu.memory_space<vmem>>)
      tpu.yield
    }) : () -> ()
    %mul3A_20 = arith.constant 10240 : i32
    %mul3A_21 = arith.muli %arg0, %mul3A_20 : i32
    %add3A_22 = arith.addi %mul3A_21, %mul3A_0 : i32
    %add3A_23 = arith.constant 0 : i32
    %add3A_24 = arith.addi %add3A_22, %add3A_23 : i32
    "tpu.region"() ({
      %run_scoped3A = tpu.sem_alloc : memref<!tpu.dma_semaphore, #tpu.memory_space<semaphore_mem>>
      %dma_start3A = arith.constant 0 : i32
      %dma_start3A_53 = tpu.memref_slice %arg5[%add3A_24, %dma_start3A] : memref<20480x80xf32, #tpu.memory_space<hbm>> -> memref<128x80xf32, #tpu.memory_space<hbm>>
      %dma_start3A_54 = arith.constant 0 : i32
      %dma_start3A_55 = tpu.memref_slice %arg5[%add3A_24, %dma_start3A_54] : memref<20480x80xf32, #tpu.memory_space<hbm>> -> memref<128x80xf32, #tpu.memory_space<hbm>>
      tpu.enqueue_dma source(%arg7 : memref<128x80xf32, #tpu.memory_space<vmem>>) target(%dma_start3A_55 : memref<128x80xf32, #tpu.memory_space<hbm>>) target_semaphore(%run_scoped3A : memref<!tpu.dma_semaphore, #tpu.memory_space<semaphore_mem>>)
      %dma_wait3A = arith.constant 0 : i32
      %dma_wait3A_56 = tpu.memref_slice %arg5[%add3A_24, %dma_wait3A] : memref<20480x80xf32, #tpu.memory_space<hbm>> -> memref<128x80xf32, #tpu.memory_space<hbm>>
      %dma_wait3A_57 = arith.constant 0 : i32
      %dma_wait3A_58 = tpu.memref_slice %arg5[%add3A_24, %dma_wait3A_57] : memref<20480x80xf32, #tpu.memory_space<hbm>> -> memref<128x80xf32, #tpu.memory_space<hbm>>
      tpu.wait_dma2 semaphore(%run_scoped3A : memref<!tpu.dma_semaphore, #tpu.memory_space<semaphore_mem>>) src(%arg7 : memref<128x80xf32, #tpu.memory_space<vmem>>) dst(%dma_wait3A_58 : memref<128x80xf32, #tpu.memory_space<hbm>>)
      tpu.yield
    }) : () -> ()
    %add3A_25 = arith.constant 128 : i32
    %add3A_26 = arith.addi %mul3A_0, %add3A_25 : i32
    "tpu.region"() ({
      %run_scoped3A = tpu.sem_alloc : memref<!tpu.dma_semaphore, #tpu.memory_space<semaphore_mem>>
      %dma_start3A = arith.constant 0 : i32
      %dma_start3A_53 = tpu.memref_slice %arg8[%add3A_26, %dma_start3A] : memref<10240x80xf32, #tpu.memory_space<vmem_shared>> -> memref<128x80xf32, #tpu.memory_space<vmem_shared>>
      %dma_start3A_54 = arith.constant 0 : i32
      %dma_start3A_55 = tpu.memref_slice %arg8[%add3A_26, %dma_start3A_54] : memref<10240x80xf32, #tpu.memory_space<vmem_shared>> -> memref<128x80xf32, #tpu.memory_space<vmem_shared>>
      tpu.enqueue_dma source(%dma_start3A_55 : memref<128x80xf32, #tpu.memory_space<vmem_shared>>) target(%arg7 : memref<128x80xf32, #tpu.memory_space<vmem>>) target_semaphore(%run_scoped3A : memref<!tpu.dma_semaphore, #tpu.memory_space<semaphore_mem>>)
      %dma_wait3A = arith.constant 0 : i32
      %dma_wait3A_56 = tpu.memref_slice %arg8[%add3A_26, %dma_wait3A] : memref<10240x80xf32, #tpu.memory_space<vmem_shared>> -> memref<128x80xf32, #tpu.memory_space<vmem_shared>>
      %dma_wait3A_57 = arith.constant 0 : i32
      %dma_wait3A_58 = tpu.memref_slice %arg8[%add3A_26, %dma_wait3A_57] : memref<10240x80xf32, #tpu.memory_space<vmem_shared>> -> memref<128x80xf32, #tpu.memory_space<vmem_shared>>
      tpu.wait_dma2 semaphore(%run_scoped3A : memref<!tpu.dma_semaphore, #tpu.memory_space<semaphore_mem>>) src(%dma_wait3A_58 : memref<128x80xf32, #tpu.memory_space<vmem_shared>>) dst(%arg7 : memref<128x80xf32, #tpu.memory_space<vmem>>)
      tpu.yield
    }) : () -> ()
    %mul3A_27 = arith.constant 10240 : i32
    %mul3A_28 = arith.muli %arg0, %mul3A_27 : i32
    %add3A_29 = arith.addi %mul3A_28, %mul3A_0 : i32
    %add3A_30 = arith.constant 128 : i32
    %add3A_31 = arith.addi %add3A_29, %add3A_30 : i32
    "tpu.region"() ({
      %run_scoped3A = tpu.sem_alloc : memref<!tpu.dma_semaphore, #tpu.memory_space<semaphore_mem>>
      %dma_start3A = arith.constant 0 : i32
      %dma_start3A_53 = tpu.memref_slice %arg5[%add3A_31, %dma_start3A] : memref<20480x80xf32, #tpu.memory_space<hbm>> -> memref<128x80xf32, #tpu.memory_space<hbm>>
      %dma_start3A_54 = arith.constant 0 : i32
      %dma_start3A_55 = tpu.memref_slice %arg5[%add3A_31, %dma_start3A_54] : memref<20480x80xf32, #tpu.memory_space<hbm>> -> memref<128x80xf32, #tpu.memory_space<hbm>>
      tpu.enqueue_dma source(%arg7 : memref<128x80xf32, #tpu.memory_space<vmem>>) target(%dma_start3A_55 : memref<128x80xf32, #tpu.memory_space<hbm>>) target_semaphore(%run_scoped3A : memref<!tpu.dma_semaphore, #tpu.memory_space<semaphore_mem>>)
      %dma_wait3A = arith.constant 0 : i32
      %dma_wait3A_56 = tpu.memref_slice %arg5[%add3A_31, %dma_wait3A] : memref<20480x80xf32, #tpu.memory_space<hbm>> -> memref<128x80xf32, #tpu.memory_space<hbm>>
      %dma_wait3A_57 = arith.constant 0 : i32
      %dma_wait3A_58 = tpu.memref_slice %arg5[%add3A_31, %dma_wait3A_57] : memref<20480x80xf32, #tpu.memory_space<hbm>> -> memref<128x80xf32, #tpu.memory_space<hbm>>
      tpu.wait_dma2 semaphore(%run_scoped3A : memref<!tpu.dma_semaphore, #tpu.memory_space<semaphore_mem>>) src(%arg7 : memref<128x80xf32, #tpu.memory_space<vmem>>) dst(%dma_wait3A_58 : memref<128x80xf32, #tpu.memory_space<hbm>>)
      tpu.yield
    }) : () -> ()
    %add3A_32 = arith.constant 256 : i32
    %add3A_33 = arith.addi %mul3A_0, %add3A_32 : i32
    "tpu.region"() ({
      %run_scoped3A = tpu.sem_alloc : memref<!tpu.dma_semaphore, #tpu.memory_space<semaphore_mem>>
      %dma_start3A = arith.constant 0 : i32
      %dma_start3A_53 = tpu.memref_slice %arg8[%add3A_33, %dma_start3A] : memref<10240x80xf32, #tpu.memory_space<vmem_shared>> -> memref<128x80xf32, #tpu.memory_space<vmem_shared>>
      %dma_start3A_54 = arith.constant 0 : i32
      %dma_start3A_55 = tpu.memref_slice %arg8[%add3A_33, %dma_start3A_54] : memref<10240x80xf32, #tpu.memory_space<vmem_shared>> -> memref<128x80xf32, #tpu.memory_space<vmem_shared>>
      tpu.enqueue_dma source(%dma_start3A_55 : memref<128x80xf32, #tpu.memory_space<vmem_shared>>) target(%arg7 : memref<128x80xf32, #tpu.memory_space<vmem>>) target_semaphore(%run_scoped3A : memref<!tpu.dma_semaphore, #tpu.memory_space<semaphore_mem>>)
      %dma_wait3A = arith.constant 0 : i32
      %dma_wait3A_56 = tpu.memref_slice %arg8[%add3A_33, %dma_wait3A] : memref<10240x80xf32, #tpu.memory_space<vmem_shared>> -> memref<128x80xf32, #tpu.memory_space<vmem_shared>>
      %dma_wait3A_57 = arith.constant 0 : i32
      %dma_wait3A_58 = tpu.memref_slice %arg8[%add3A_33, %dma_wait3A_57] : memref<10240x80xf32, #tpu.memory_space<vmem_shared>> -> memref<128x80xf32, #tpu.memory_space<vmem_shared>>
      tpu.wait_dma2 semaphore(%run_scoped3A : memref<!tpu.dma_semaphore, #tpu.memory_space<semaphore_mem>>) src(%dma_wait3A_58 : memref<128x80xf32, #tpu.memory_space<vmem_shared>>) dst(%arg7 : memref<128x80xf32, #tpu.memory_space<vmem>>)
      tpu.yield
    }) : () -> ()
    %mul3A_34 = arith.constant 10240 : i32
    %mul3A_35 = arith.muli %arg0, %mul3A_34 : i32
    %add3A_36 = arith.addi %mul3A_35, %mul3A_0 : i32
    %add3A_37 = arith.constant 256 : i32
    %add3A_38 = arith.addi %add3A_36, %add3A_37 : i32
    "tpu.region"() ({
      %run_scoped3A = tpu.sem_alloc : memref<!tpu.dma_semaphore, #tpu.memory_space<semaphore_mem>>
      %dma_start3A = arith.constant 0 : i32
      %dma_start3A_53 = tpu.memref_slice %arg5[%add3A_38, %dma_start3A] : memref<20480x80xf32, #tpu.memory_space<hbm>> -> memref<128x80xf32, #tpu.memory_space<hbm>>
      %dma_start3A_54 = arith.constant 0 : i32
      %dma_start3A_55 = tpu.memref_slice %arg5[%add3A_38, %dma_start3A_54] : memref<20480x80xf32, #tpu.memory_space<hbm>> -> memref<128x80xf32, #tpu.memory_space<hbm>>
      tpu.enqueue_dma source(%arg7 : memref<128x80xf32, #tpu.memory_space<vmem>>) target(%dma_start3A_55 : memref<128x80xf32, #tpu.memory_space<hbm>>) target_semaphore(%run_scoped3A : memref<!tpu.dma_semaphore, #tpu.memory_space<semaphore_mem>>)
      %dma_wait3A = arith.constant 0 : i32
      %dma_wait3A_56 = tpu.memref_slice %arg5[%add3A_38, %dma_wait3A] : memref<20480x80xf32, #tpu.memory_space<hbm>> -> memref<128x80xf32, #tpu.memory_space<hbm>>
      %dma_wait3A_57 = arith.constant 0 : i32
      %dma_wait3A_58 = tpu.memref_slice %arg5[%add3A_38, %dma_wait3A_57] : memref<20480x80xf32, #tpu.memory_space<hbm>> -> memref<128x80xf32, #tpu.memory_space<hbm>>
      tpu.wait_dma2 semaphore(%run_scoped3A : memref<!tpu.dma_semaphore, #tpu.memory_space<semaphore_mem>>) src(%arg7 : memref<128x80xf32, #tpu.memory_space<vmem>>) dst(%dma_wait3A_58 : memref<128x80xf32, #tpu.memory_space<hbm>>)
      tpu.yield
    }) : () -> ()
    %add3A_39 = arith.constant 384 : i32
    %add3A_40 = arith.addi %mul3A_0, %add3A_39 : i32
    "tpu.region"() ({
      %run_scoped3A = tpu.sem_alloc : memref<!tpu.dma_semaphore, #tpu.memory_space<semaphore_mem>>
      %dma_start3A = arith.constant 0 : i32
      %dma_start3A_53 = tpu.memref_slice %arg8[%add3A_40, %dma_start3A] : memref<10240x80xf32, #tpu.memory_space<vmem_shared>> -> memref<128x80xf32, #tpu.memory_space<vmem_shared>>
      %dma_start3A_54 = arith.constant 0 : i32
      %dma_start3A_55 = tpu.memref_slice %arg8[%add3A_40, %dma_start3A_54] : memref<10240x80xf32, #tpu.memory_space<vmem_shared>> -> memref<128x80xf32, #tpu.memory_space<vmem_shared>>
      tpu.enqueue_dma source(%dma_start3A_55 : memref<128x80xf32, #tpu.memory_space<vmem_shared>>) target(%arg7 : memref<128x80xf32, #tpu.memory_space<vmem>>) target_semaphore(%run_scoped3A : memref<!tpu.dma_semaphore, #tpu.memory_space<semaphore_mem>>)
      %dma_wait3A = arith.constant 0 : i32
      %dma_wait3A_56 = tpu.memref_slice %arg8[%add3A_40, %dma_wait3A] : memref<10240x80xf32, #tpu.memory_space<vmem_shared>> -> memref<128x80xf32, #tpu.memory_space<vmem_shared>>
      %dma_wait3A_57 = arith.constant 0 : i32
      %dma_wait3A_58 = tpu.memref_slice %arg8[%add3A_40, %dma_wait3A_57] : memref<10240x80xf32, #tpu.memory_space<vmem_shared>> -> memref<128x80xf32, #tpu.memory_space<vmem_shared>>
      tpu.wait_dma2 semaphore(%run_scoped3A : memref<!tpu.dma_semaphore, #tpu.memory_space<semaphore_mem>>) src(%dma_wait3A_58 : memref<128x80xf32, #tpu.memory_space<vmem_shared>>) dst(%arg7 : memref<128x80xf32, #tpu.memory_space<vmem>>)
      tpu.yield
    }) : () -> ()
    %mul3A_41 = arith.constant 10240 : i32
    %mul3A_42 = arith.muli %arg0, %mul3A_41 : i32
    %add3A_43 = arith.addi %mul3A_42, %mul3A_0 : i32
    %add3A_44 = arith.constant 384 : i32
    %add3A_45 = arith.addi %add3A_43, %add3A_44 : i32
    "tpu.region"() ({
      %run_scoped3A = tpu.sem_alloc : memref<!tpu.dma_semaphore, #tpu.memory_space<semaphore_mem>>
      %dma_start3A = arith.constant 0 : i32
      %dma_start3A_53 = tpu.memref_slice %arg5[%add3A_45, %dma_start3A] : memref<20480x80xf32, #tpu.memory_space<hbm>> -> memref<128x80xf32, #tpu.memory_space<hbm>>
      %dma_start3A_54 = arith.constant 0 : i32
      %dma_start3A_55 = tpu.memref_slice %arg5[%add3A_45, %dma_start3A_54] : memref<20480x80xf32, #tpu.memory_space<hbm>> -> memref<128x80xf32, #tpu.memory_space<hbm>>
      tpu.enqueue_dma source(%arg7 : memref<128x80xf32, #tpu.memory_space<vmem>>) target(%dma_start3A_55 : memref<128x80xf32, #tpu.memory_space<hbm>>) target_semaphore(%run_scoped3A : memref<!tpu.dma_semaphore, #tpu.memory_space<semaphore_mem>>)
      %dma_wait3A = arith.constant 0 : i32
      %dma_wait3A_56 = tpu.memref_slice %arg5[%add3A_45, %dma_wait3A] : memref<20480x80xf32, #tpu.memory_space<hbm>> -> memref<128x80xf32, #tpu.memory_space<hbm>>
      %dma_wait3A_57 = arith.constant 0 : i32
      %dma_wait3A_58 = tpu.memref_slice %arg5[%add3A_45, %dma_wait3A_57] : memref<20480x80xf32, #tpu.memory_space<hbm>> -> memref<128x80xf32, #tpu.memory_space<hbm>>
      tpu.wait_dma2 semaphore(%run_scoped3A : memref<!tpu.dma_semaphore, #tpu.memory_space<semaphore_mem>>) src(%arg7 : memref<128x80xf32, #tpu.memory_space<vmem>>) dst(%dma_wait3A_58 : memref<128x80xf32, #tpu.memory_space<hbm>>)
      tpu.yield
    }) : () -> ()
    %add3A_46 = arith.constant 512 : i32
    %add3A_47 = arith.addi %mul3A_0, %add3A_46 : i32
    "tpu.region"() ({
      %run_scoped3A = tpu.sem_alloc : memref<!tpu.dma_semaphore, #tpu.memory_space<semaphore_mem>>
      %dma_start3A = arith.constant 0 : i32
      %dma_start3A_53 = tpu.memref_slice %arg8[%add3A_47, %dma_start3A] : memref<10240x80xf32, #tpu.memory_space<vmem_shared>> -> memref<128x80xf32, #tpu.memory_space<vmem_shared>>
      %dma_start3A_54 = arith.constant 0 : i32
      %dma_start3A_55 = tpu.memref_slice %arg8[%add3A_47, %dma_start3A_54] : memref<10240x80xf32, #tpu.memory_space<vmem_shared>> -> memref<128x80xf32, #tpu.memory_space<vmem_shared>>
      tpu.enqueue_dma source(%dma_start3A_55 : memref<128x80xf32, #tpu.memory_space<vmem_shared>>) target(%arg7 : memref<128x80xf32, #tpu.memory_space<vmem>>) target_semaphore(%run_scoped3A : memref<!tpu.dma_semaphore, #tpu.memory_space<semaphore_mem>>)
      %dma_wait3A = arith.constant 0 : i32
      %dma_wait3A_56 = tpu.memref_slice %arg8[%add3A_47, %dma_wait3A] : memref<10240x80xf32, #tpu.memory_space<vmem_shared>> -> memref<128x80xf32, #tpu.memory_space<vmem_shared>>
      %dma_wait3A_57 = arith.constant 0 : i32
      %dma_wait3A_58 = tpu.memref_slice %arg8[%add3A_47, %dma_wait3A_57] : memref<10240x80xf32, #tpu.memory_space<vmem_shared>> -> memref<128x80xf32, #tpu.memory_space<vmem_shared>>
      tpu.wait_dma2 semaphore(%run_scoped3A : memref<!tpu.dma_semaphore, #tpu.memory_space<semaphore_mem>>) src(%dma_wait3A_58 : memref<128x80xf32, #tpu.memory_space<vmem_shared>>) dst(%arg7 : memref<128x80xf32, #tpu.memory_space<vmem>>)
      tpu.yield
    }) : () -> ()
    %mul3A_48 = arith.constant 10240 : i32
    %mul3A_49 = arith.muli %arg0, %mul3A_48 : i32
    %add3A_50 = arith.addi %mul3A_49, %mul3A_0 : i32
    %add3A_51 = arith.constant 512 : i32
    %add3A_52 = arith.addi %add3A_50, %add3A_51 : i32
    "tpu.region"() ({
      %run_scoped3A = tpu.sem_alloc : memref<!tpu.dma_semaphore, #tpu.memory_space<semaphore_mem>>
      %dma_start3A = arith.constant 0 : i32
      %dma_start3A_53 = tpu.memref_slice %arg5[%add3A_52, %dma_start3A] : memref<20480x80xf32, #tpu.memory_space<hbm>> -> memref<128x80xf32, #tpu.memory_space<hbm>>
      %dma_start3A_54 = arith.constant 0 : i32
      %dma_start3A_55 = tpu.memref_slice %arg5[%add3A_52, %dma_start3A_54] : memref<20480x80xf32, #tpu.memory_space<hbm>> -> memref<128x80xf32, #tpu.memory_space<hbm>>
      tpu.enqueue_dma source(%arg7 : memref<128x80xf32, #tpu.memory_space<vmem>>) target(%dma_start3A_55 : memref<128x80xf32, #tpu.memory_space<hbm>>) target_semaphore(%run_scoped3A : memref<!tpu.dma_semaphore, #tpu.memory_space<semaphore_mem>>)
      %dma_wait3A = arith.constant 0 : i32
      %dma_wait3A_56 = tpu.memref_slice %arg5[%add3A_52, %dma_wait3A] : memref<20480x80xf32, #tpu.memory_space<hbm>> -> memref<128x80xf32, #tpu.memory_space<hbm>>
      %dma_wait3A_57 = arith.constant 0 : i32
      %dma_wait3A_58 = tpu.memref_slice %arg5[%add3A_52, %dma_wait3A_57] : memref<20480x80xf32, #tpu.memory_space<hbm>> -> memref<128x80xf32, #tpu.memory_space<hbm>>
      tpu.wait_dma2 semaphore(%run_scoped3A : memref<!tpu.dma_semaphore, #tpu.memory_space<semaphore_mem>>) src(%arg7 : memref<128x80xf32, #tpu.memory_space<vmem>>) dst(%dma_wait3A_58 : memref<128x80xf32, #tpu.memory_space<hbm>>)
      tpu.yield
    }) : () -> ()
    return
  }
}

module attributes {stable_mosaic.version = 14 : i64} {
  func.func @_tca_body(%arg0: i32, %arg1: memref<1xi32, #tpu.memory_space<smem>>, %arg2: memref<512x144xf32, #tpu.memory_space<vmem>>, %arg3: memref<2x512x144xf32, #tpu.memory_space<vmem>>, %arg4: memref<128x512xf32, #tpu.memory_space<vmem>>, %arg5: memref<128x512xf32, #tpu.memory_space<vmem>>, %arg6: memref<1x512xf32, #tpu.memory_space<vmem>>, %arg7: memref<512x64xf32, #tpu.memory_space<vmem>>, %arg8: memref<512x512xf32, #tpu.memory_space<vmem>>, %arg9: memref<512x80xf32, #tpu.memory_space<vmem>>) attributes {dimension_semantics = [#tpu.dimension_semantics<arbitrary>], iteration_bounds = array<i64: 20>, scalar_prefetch = 0 : i64, scratch_operands = 0 : i64, tpu.core_type = #tpu.core_type<tc>, window_params = [{transform_indices = @transform_0, window_bounds = array<i64: 1>}, {transform_indices = @transform_1, window_bounds = array<i64: 512, 144>}, {transform_indices = @transform_2, window_bounds = array<i64: 2, 512, 144>}, {pipeline_mode = #tpu.pipeline_mode<synchronous>, transform_indices = @transform_3, window_bounds = array<i64: 128, 512>}, {pipeline_mode = #tpu.pipeline_mode<synchronous>, transform_indices = @transform_4, window_bounds = array<i64: 128, 512>}, {pipeline_mode = #tpu.pipeline_mode<synchronous>, transform_indices = @transform_5, window_bounds = array<i64: 1, 512>}, {pipeline_mode = #tpu.pipeline_mode<synchronous>, transform_indices = @transform_6, window_bounds = array<i64: 512, 64>}, {transform_indices = @transform_7, window_bounds = array<i64: 512, 512>}, {transform_indices = @transform_8, window_bounds = array<i64: 512, 80>}]} {
    %get3A = arith.constant 0 : index
    %get3A_0 = arith.constant 0 : index
    %get3A_1 = arith.constant 0 : index
    %get3A_2 = vector.load %arg3[%get3A, %get3A_0, %get3A_1] : memref<2x512x144xf32, #tpu.memory_space<vmem>>, vector<1x512x144xf32>
    %get3A_3 = vector.shape_cast %get3A_2 : vector<1x512x144xf32> to vector<512x144xf32>
    %get3A_4 = arith.constant 1 : index
    %get3A_5 = arith.constant 0 : index
    %get3A_6 = arith.constant 0 : index
    %get3A_7 = vector.load %arg3[%get3A_4, %get3A_5, %get3A_6] : memref<2x512x144xf32, #tpu.memory_space<vmem>>, vector<1x512x144xf32>
    %get3A_8 = vector.shape_cast %get3A_7 : vector<1x512x144xf32> to vector<512x144xf32>
    %add3A = arith.addf %get3A_3, %get3A_8 : vector<512x144xf32>
    %slice3A = vector.extract_strided_slice %add3A {offsets = [0, 128], sizes = [512, 1], strides = [1, 1]} : vector<512x144xf32> to vector<512x1xf32>
    %max3A = arith.constant 1.000000e+00 : f32
    %max3A_9 = vector.broadcast %max3A : f32 to vector<512x1xf32>
    %max3A_10 = arith.maximumf %slice3A, %max3A_9 : vector<512x1xf32>
    %slice3A_11 = vector.extract_strided_slice %add3A {offsets = [0, 0], sizes = [512, 128], strides = [1, 1]} : vector<512x144xf32> to vector<512x128xf32>
    %div3A = vector.broadcast %max3A_10 : vector<512x1xf32> to vector<512x128xf32>
    %div3A_12 = arith.divf %slice3A_11, %div3A : vector<512x128xf32>
    %get3A_13 = arith.constant 0 : index
    %get3A_14 = arith.constant 0 : index
    %get3A_15 = vector.load %arg2[%get3A_13, %get3A_14] : memref<512x144xf32, #tpu.memory_space<vmem>>, vector<512x128xf32>
    %get3A_16 = arith.constant 0 : index
    %get3A_17 = arith.constant 0 : index
    %get3A_18 = vector.load %arg4[%get3A_16, %get3A_17] : memref<128x512xf32, #tpu.memory_space<vmem>>, vector<128x512xf32>
    %dot_general3A = arith.constant dense<0.000000e+00> : vector<512x512xf32>
    %dot_general3A_19 = tpu.matmul %get3A_15, %get3A_18, %dot_general3A {dimension_numbers = #tpu.dot_dimension_numbers<[1], [0], [0], [1], [0, 0, 1, 1], [], []>, transpose_lhs_hint = false} : vector<512x128xf32>, vector<128x512xf32>, vector<512x512xf32> -> vector<512x512xf32>
    %get3A_20 = arith.constant 0 : index
    %get3A_21 = arith.constant 0 : index
    %get3A_22 = vector.load %arg5[%get3A_20, %get3A_21] : memref<128x512xf32, #tpu.memory_space<vmem>>, vector<128x512xf32>
    %dot_general3A_23 = arith.constant dense<0.000000e+00> : vector<512x512xf32>
    %dot_general3A_24 = tpu.matmul %div3A_12, %get3A_22, %dot_general3A_23 {dimension_numbers = #tpu.dot_dimension_numbers<[1], [0], [0], [1], [0, 0, 1, 1], [], []>, transpose_lhs_hint = false} : vector<512x128xf32>, vector<128x512xf32>, vector<512x512xf32> -> vector<512x512xf32>
    %add3A_25 = arith.addf %dot_general3A_19, %dot_general3A_24 : vector<512x512xf32>
    %get3A_26 = arith.constant 0 : index
    %get3A_27 = arith.constant 0 : index
    %get3A_28 = vector.load %arg6[%get3A_26, %get3A_27] : memref<1x512xf32, #tpu.memory_space<vmem>>, vector<1x512xf32>
    %add3A_29 = vector.broadcast %get3A_28 : vector<1x512xf32> to vector<512x512xf32>
    %add3A_30 = arith.addf %add3A_25, %add3A_29 : vector<512x512xf32>
    %mul3A = arith.constant 512 : i32
    %mul3A_31 = arith.muli %arg0, %mul3A : i32
    %iota3A = tpu.iota {dimensions = array<i32: 0>} : vector<512x1xi32>
    %add3A_32 = vector.broadcast %mul3A_31 : i32 to vector<512x1xi32>
    %add3A_33 = arith.addi %add3A_32, %iota3A : vector<512x1xi32>
    %get3A_34 = arith.constant 0 : index
    %get3A_35 = memref.load %arg1[%get3A_34] : memref<1xi32, #tpu.memory_space<smem>>
    %lt3A = vector.broadcast %get3A_35 : i32 to vector<512x1xi32>
    %lt3A_36 = arith.cmpi slt, %add3A_33, %lt3A : vector<512x1xi32>
    %max3A_37 = arith.constant 0.000000e+00 : f32
    %max3A_38 = vector.broadcast %max3A_37 : f32 to vector<512x512xf32>
    %max3A_39 = arith.maximumf %add3A_30, %max3A_38 : vector<512x512xf32>
    %jit3A = arith.constant 0.000000e+00 : f32
    %broadcast_in_dim3A = vector.shape_cast %lt3A_36 : vector<512x1xi1> to vector<512x1xi1>
    %broadcast_in_dim3A_40 = vector.broadcast %broadcast_in_dim3A : vector<512x1xi1> to vector<512x512xi1>
    %broadcast_in_dim3A_41 = vector.broadcast %jit3A : f32 to vector<512x512xf32>
    %select_n3A = arith.select %broadcast_in_dim3A_40, %max3A_39, %broadcast_in_dim3A_41 : vector<512x512xi1>, vector<512x512xf32>
    %swap3A = arith.constant 0 : index
    %swap3A_42 = arith.constant 0 : index
    %swap3A_43 = vector.load %arg8[%swap3A, %swap3A_42] : memref<512x512xf32, #tpu.memory_space<vmem>>, vector<512x512xf32>
    tpu.vector_store %arg8[%swap3A, %swap3A_42], %select_n3A {strides = array<i32>} : memref<512x512xf32, #tpu.memory_space<vmem>>, vector<512x512xf32>,
    %get3A_44 = arith.constant 0 : index
    %get3A_45 = arith.constant 0 : index
    %get3A_46 = vector.load %arg7[%get3A_44, %get3A_45] : memref<512x64xf32, #tpu.memory_space<vmem>>, vector<512x64xf32>
    %dot_general3A_47 = arith.constant dense<0.000000e+00> : vector<512x64xf32>
    %dot_general3A_48 = tpu.matmul %select_n3A, %get3A_46, %dot_general3A_47 {dimension_numbers = #tpu.dot_dimension_numbers<[1], [0], [0], [1], [0, 0, 1, 1], [], []>, transpose_lhs_hint = false} : vector<512x512xf32>, vector<512x64xf32>, vector<512x64xf32> -> vector<512x64xf32>
    %broadcast_in_dim3A_49 = arith.constant 1.000000e+00 : f32
    %broadcast_in_dim3A_50 = vector.broadcast %broadcast_in_dim3A_49 : f32 to vector<512x16xf32>
    %concatenate3A = tpu.concatenate %dot_general3A_48, %broadcast_in_dim3A_50 in 1 : vector<512x64xf32>, vector<512x16xf32> -> vector<512x80xf32>
    %swap3A_51 = arith.constant 0 : index
    %swap3A_52 = arith.constant 0 : index
    %swap3A_53 = vector.load %arg9[%swap3A_51, %swap3A_52] : memref<512x80xf32, #tpu.memory_space<vmem>>, vector<512x80xf32>
    tpu.vector_store %arg9[%swap3A_51, %swap3A_52], %concatenate3A {strides = array<i32>} : memref<512x80xf32, #tpu.memory_space<vmem>>, vector<512x80xf32>,
    return
  }
  func.func @transform_0(%arg0: i32) -> i32 {
    %c0_i32 = arith.constant 0 : i32
    %c0_i32_0 = arith.constant 0 : i32
    return %c0_i32 : i32
  }
  func.func @transform_1(%arg0: i32) -> (i32, i32) {
    %c0_i32 = arith.constant 0 : i32
    %c0_i32_0 = arith.constant 0 : i32
    return %arg0, %c0_i32 : i32, i32
  }
  func.func @transform_2(%arg0: i32) -> (i32, i32, i32) {
    %c0_i32 = arith.constant 0 : i32
    %c0_i32_0 = arith.constant 0 : i32
    %c0_i32_1 = arith.constant 0 : i32
    return %c0_i32, %arg0, %c0_i32_0 : i32, i32, i32
  }
  func.func @transform_3(%arg0: i32) -> (i32, i32) {
    %c0_i32 = arith.constant 0 : i32
    %c0_i32_0 = arith.constant 0 : i32
    %c0_i32_1 = arith.constant 0 : i32
    return %c0_i32, %c0_i32_0 : i32, i32
  }
  func.func @transform_4(%arg0: i32) -> (i32, i32) {
    %c0_i32 = arith.constant 0 : i32
    %c0_i32_0 = arith.constant 0 : i32
    %c0_i32_1 = arith.constant 0 : i32
    return %c0_i32, %c0_i32_0 : i32, i32
  }
  func.func @transform_5(%arg0: i32) -> (i32, i32) {
    %c0_i32 = arith.constant 0 : i32
    %c0_i32_0 = arith.constant 0 : i32
    %c0_i32_1 = arith.constant 0 : i32
    return %c0_i32, %c0_i32_0 : i32, i32
  }
  func.func @transform_6(%arg0: i32) -> (i32, i32) {
    %c0_i32 = arith.constant 0 : i32
    %c0_i32_0 = arith.constant 0 : i32
    %c0_i32_1 = arith.constant 0 : i32
    return %c0_i32, %c0_i32_0 : i32, i32
  }
  func.func @transform_7(%arg0: i32) -> (i32, i32) {
    %c0_i32 = arith.constant 0 : i32
    %c0_i32_0 = arith.constant 0 : i32
    return %arg0, %c0_i32 : i32, i32
  }
  func.func @transform_8(%arg0: i32) -> (i32, i32) {
    %c0_i32 = arith.constant 0 : i32
    %c0_i32_0 = arith.constant 0 : i32
    return %arg0, %c0_i32 : i32, i32
  }
}

module attributes {stable_mosaic.version = 14 : i64} {
  func.func @_tcb_body(%arg0: i32, %arg1: memref<1xi32, #tpu.memory_space<smem>>, %arg2: memref<512x512xf32, #tpu.memory_space<vmem>>, %arg3: memref<2x512x80xf32, #tpu.memory_space<vmem>>, %arg4: memref<512x64xf32, #tpu.memory_space<vmem>>, %arg5: memref<1x64xf32, #tpu.memory_space<vmem>>, %arg6: memref<512x64xf32, #tpu.memory_space<vmem>>) attributes {dimension_semantics = [#tpu.dimension_semantics<arbitrary>], iteration_bounds = array<i64: 20>, scalar_prefetch = 0 : i64, scratch_operands = 0 : i64, tpu.core_type = #tpu.core_type<tc>, window_params = [{transform_indices = @transform_0, window_bounds = array<i64: 1>}, {transform_indices = @transform_1, window_bounds = array<i64: 512, 512>}, {transform_indices = @transform_2, window_bounds = array<i64: 2, 512, 80>}, {pipeline_mode = #tpu.pipeline_mode<synchronous>, transform_indices = @transform_3, window_bounds = array<i64: 512, 64>}, {pipeline_mode = #tpu.pipeline_mode<synchronous>, transform_indices = @transform_4, window_bounds = array<i64: 1, 64>}, {transform_indices = @transform_5, window_bounds = array<i64: 512, 64>}]} {
    %get3A = arith.constant 0 : index
    %get3A_0 = arith.constant 0 : index
    %get3A_1 = arith.constant 0 : index
    %get3A_2 = vector.load %arg3[%get3A, %get3A_0, %get3A_1] : memref<2x512x80xf32, #tpu.memory_space<vmem>>, vector<1x512x80xf32>
    %get3A_3 = vector.shape_cast %get3A_2 : vector<1x512x80xf32> to vector<512x80xf32>
    %get3A_4 = arith.constant 1 : index
    %get3A_5 = arith.constant 0 : index
    %get3A_6 = arith.constant 0 : index
    %get3A_7 = vector.load %arg3[%get3A_4, %get3A_5, %get3A_6] : memref<2x512x80xf32, #tpu.memory_space<vmem>>, vector<1x512x80xf32>
    %get3A_8 = vector.shape_cast %get3A_7 : vector<1x512x80xf32> to vector<512x80xf32>
    %add3A = arith.addf %get3A_3, %get3A_8 : vector<512x80xf32>
    %slice3A = vector.extract_strided_slice %add3A {offsets = [0, 0], sizes = [512, 64], strides = [1, 1]} : vector<512x80xf32> to vector<512x64xf32>
    %slice3A_9 = vector.extract_strided_slice %add3A {offsets = [0, 64], sizes = [512, 1], strides = [1, 1]} : vector<512x80xf32> to vector<512x1xf32>
    %max3A = arith.constant 1.000000e+00 : f32
    %max3A_10 = vector.broadcast %max3A : f32 to vector<512x1xf32>
    %max3A_11 = arith.maximumf %slice3A_9, %max3A_10 : vector<512x1xf32>
    %div3A = vector.broadcast %max3A_11 : vector<512x1xf32> to vector<512x64xf32>
    %div3A_12 = arith.divf %slice3A, %div3A : vector<512x64xf32>
    %get3A_13 = arith.constant 0 : index
    %get3A_14 = arith.constant 0 : index
    %get3A_15 = vector.load %arg2[%get3A_13, %get3A_14] : memref<512x512xf32, #tpu.memory_space<vmem>>, vector<512x512xf32>
    %get3A_16 = arith.constant 0 : index
    %get3A_17 = arith.constant 0 : index
    %get3A_18 = vector.load %arg4[%get3A_16, %get3A_17] : memref<512x64xf32, #tpu.memory_space<vmem>>, vector<512x64xf32>
    %dot_general3A = arith.constant dense<0.000000e+00> : vector<512x64xf32>
    %dot_general3A_19 = tpu.matmul %get3A_15, %get3A_18, %dot_general3A {dimension_numbers = #tpu.dot_dimension_numbers<[1], [0], [0], [1], [0, 0, 1, 1], [], []>, transpose_lhs_hint = false} : vector<512x512xf32>, vector<512x64xf32>, vector<512x64xf32> -> vector<512x64xf32>
    %add3A_20 = arith.addf %dot_general3A_19, %div3A_12 : vector<512x64xf32>
    %get3A_21 = arith.constant 0 : index
    %get3A_22 = arith.constant 0 : index
    %get3A_23 = vector.load %arg5[%get3A_21, %get3A_22] : memref<1x64xf32, #tpu.memory_space<vmem>>, vector<1x64xf32>
    %add3A_24 = vector.broadcast %get3A_23 : vector<1x64xf32> to vector<512x64xf32>
    %add3A_25 = arith.addf %add3A_20, %add3A_24 : vector<512x64xf32>
    %mul3A = arith.constant 512 : i32
    %mul3A_26 = arith.muli %arg0, %mul3A : i32
    %iota3A = tpu.iota {dimensions = array<i32: 0>} : vector<512x1xi32>
    %add3A_27 = vector.broadcast %mul3A_26 : i32 to vector<512x1xi32>
    %add3A_28 = arith.addi %add3A_27, %iota3A : vector<512x1xi32>
    %get3A_29 = arith.constant 0 : index
    %get3A_30 = memref.load %arg1[%get3A_29] : memref<1xi32, #tpu.memory_space<smem>>
    %lt3A = vector.broadcast %get3A_30 : i32 to vector<512x1xi32>
    %lt3A_31 = arith.cmpi slt, %add3A_28, %lt3A : vector<512x1xi32>
    %jit3A = arith.constant 0.000000e+00 : f32
    %broadcast_in_dim3A = vector.shape_cast %lt3A_31 : vector<512x1xi1> to vector<512x1xi1>
    %broadcast_in_dim3A_32 = vector.broadcast %broadcast_in_dim3A : vector<512x1xi1> to vector<512x64xi1>
    %broadcast_in_dim3A_33 = vector.broadcast %jit3A : f32 to vector<512x64xf32>
    %select_n3A = arith.select %broadcast_in_dim3A_32, %add3A_25, %broadcast_in_dim3A_33 : vector<512x64xi1>, vector<512x64xf32>
    %reduce_max3A = arith.constant dense<0xFF800000> : vector<512xf32>
    %reduce_max3A_34 = vector.multi_reduction <maximumf>, %select_n3A, %reduce_max3A [1] : vector<512x64xf32> to vector<512xf32>
    %broadcast_in_dim3A_35 = vector.shape_cast %reduce_max3A_34 : vector<512xf32> to vector<512x1xf32>
    %sub3A = vector.broadcast %broadcast_in_dim3A_35 : vector<512x1xf32> to vector<512x64xf32>
    %sub3A_36 = arith.subf %select_n3A, %sub3A : vector<512x64xf32>
    %exp3A = math.exp %sub3A_36 : vector<512x64xf32>
    %sub3A_37 = vector.broadcast %broadcast_in_dim3A_35 : vector<512x1xf32> to vector<512x64xf32>
    %sub3A_38 = arith.subf %select_n3A, %sub3A_37 : vector<512x64xf32>
    %reduce_sum3A = arith.constant dense<0.000000e+00> : vector<512xf32>
    %reduce_sum3A_39 = vector.multi_reduction <add>, %exp3A, %reduce_sum3A [1] : vector<512x64xf32> to vector<512xf32>
    %broadcast_in_dim3A_40 = vector.shape_cast %reduce_sum3A_39 : vector<512xf32> to vector<512x1xf32>
    %log3A = math.log %broadcast_in_dim3A_40 : vector<512x1xf32>
    %sub3A_41 = vector.broadcast %log3A : vector<512x1xf32> to vector<512x64xf32>
    %sub3A_42 = arith.subf %sub3A_38, %sub3A_41 : vector<512x64xf32>
    %swap3A = arith.constant 0 : index
    %swap3A_43 = arith.constant 0 : index
    %swap3A_44 = vector.load %arg6[%swap3A, %swap3A_43] : memref<512x64xf32, #tpu.memory_space<vmem>>, vector<512x64xf32>
    tpu.vector_store %arg6[%swap3A, %swap3A_43], %sub3A_42 {strides = array<i32>} : memref<512x64xf32, #tpu.memory_space<vmem>>, vector<512x64xf32>,
    return
  }
  func.func @transform_0(%arg0: i32) -> i32 {
    %c0_i32 = arith.constant 0 : i32
    %c0_i32_0 = arith.constant 0 : i32
    return %c0_i32 : i32
  }
  func.func @transform_1(%arg0: i32) -> (i32, i32) {
    %c0_i32 = arith.constant 0 : i32
    %c0_i32_0 = arith.constant 0 : i32
    return %arg0, %c0_i32 : i32, i32
  }
  func.func @transform_2(%arg0: i32) -> (i32, i32, i32) {
    %c0_i32 = arith.constant 0 : i32
    %c0_i32_0 = arith.constant 0 : i32
    %c0_i32_1 = arith.constant 0 : i32
    return %c0_i32, %arg0, %c0_i32_0 : i32, i32, i32
  }
  func.func @transform_3(%arg0: i32) -> (i32, i32) {
    %c0_i32 = arith.constant 0 : i32
    %c0_i32_0 = arith.constant 0 : i32
    %c0_i32_1 = arith.constant 0 : i32
    return %c0_i32, %c0_i32_0 : i32, i32
  }
  func.func @transform_4(%arg0: i32) -> (i32, i32) {
    %c0_i32 = arith.constant 0 : i32
    %c0_i32_0 = arith.constant 0 : i32
    %c0_i32_1 = arith.constant 0 : i32
    return %c0_i32, %c0_i32_0 : i32, i32
  }
  func.func @transform_5(%arg0: i32) -> (i32, i32) {
    %c0_i32 = arith.constant 0 : i32
    %c0_i32_0 = arith.constant 0 : i32
    return %arg0, %c0_i32 : i32, i32
  }
}

</mosaic_0001>

<sc_bundles>
// kernel: kernel.6.cloned.1.call-start
scs
__scs_entry_jumppad:
0x0: {  	(pc) =	sbr.rel $0x88, $3  }
0x1: {  	(tag) =	ssettag $0x0;
	lr =	simm.s32 $0x1  }
0x2: {  	[smem:$0x3F96] =	sst lr;
	_ =	strace $0xD0000000  }
0x3: {  	_ = 	snop  }
0x4: {  	_ = 	snop  }
0x5: {  	_ = 	snop  }
0x6: {  	_ = 	snop  }
0x7: {  	_ = 	snop  }
__scs_overlays_trampoline_lowered:
0x8: {  	[smem:$0x3FA5] =	sst s0  }
0x9: {  	[smem:$0x3FA6] =	sst s1  }
0xa: {  	[smem:$0x3FA7] =	sst s2  }
0xb: {  	[smem:$0x3FA8] =	sst s3  }
0xc: {  	[smem:$0x3FA9] =	sst s4  }
0xd: {  	[smem:$0x3FAA] =	sst s5  }
0xe: {  	[smem:$0x3FAB] =	sst s6  }
0xf: {  	[smem:$0x3FAC] =	sst s7  }
0x10: {  	[smem:$0x3FAD] =	sst s8  }
0x11: {  	[smem:$0x3FAE] =	sst s9;
	s0 =	simm.s32 @!p0 $0x0  }
0x12: {  	s1 =	sld [smem:$0x3F94];
	s0 =	simm.s32 @p0 $0x1  }
0x13: {  	[smem:$0x3FAF] =	sst s0;
	s0 =	simm.s32 @!p1 $0x0  }
0x14: {  	s2 =	sld [smem:$0x3F93];
	s0 =	simm.s32 @p1 $0x1  }
0x15: {  	[smem:$0x3FB0] =	sst s0;
	s0 =	simm.s32 @!p2 $0x0  }
0x16: {  	s3 =	sld [smem:$0x3FDB];
	s0 =	simm.s32 @p2 $0x1  }
0x17: {  	s4 =	simm.s32 $0x1BF5;
	[smem:$0x3FB2] =	sst s0  }
0x18: {  	s0 =	sld [smem:$0x3F95];
	_ =	swait.ge [sflag:s4], $0x0  }
0x19: {  	s7 =	sld [smem:$0x3F96]  }
0x1a: {  	s8 =	sadd.s32 $0xFFFFE003, lr  }
0x1b: {  	s9 =	sadd.s32 $0xFFFFFEF7, lr;
	s5 =	simm.s32 $0xFFFFFFFF;
	p2 =	slt.u32 s8, $0xFFFFF086  }
0x1c: {  	p1 =	slt.u32 s9, $0xF7A;
	s5 =	simm.s32 @!p2 $0x0  }
0x1d: {  	s5 =	simm.s32 @p1 $0x1;
	p0 =	seq.s32 s7, s2  }
0x1e: {  	s7 =	smul.u32 @!p0 $0xF7A, s2;
	p2 =	seq.s32 @!p0 s5, $0x0  }
0x1f: {  	s9 =	smul.u32 $0xF7A, s1;
	s8 =	simm.s32 @!p0 $0x1BF5;
	p2 =	por !p2, p0  }
0x20: {  	[sflag:s8] =	ssyncset.s32 @!p0 $0xFFFFF086;
	s6 =	sadd.s32 @!p0 s3, s7;
	s7 =	simm.s32 @!p0 $0x108  }
0x21: {  	s3 =	sadd.s32 s3, s9;
	s6 =	sadd.s32 @!p0 $0x88, s6;
	s7 =	simm.s32 @p2 $0x1082  }
0x22: {  	[simem:s7], [sflag:s8] =	dma.local @!p0 [hbm:s6], $0xF7A  }
0x23: {  	s9 =	sor.u32 $0xD0000000, s2;
	s6 =	simm.s32 $0x108;
	_ =	swait.ge @!p0 [sflag:s8], $0x0  }
0x24: {  	s3 =	sadd.s32 $0x88, s3;
	s6 =	simm.s32 @!p1 $0x1082;
	[sflag:s4] =	ssyncset.s32 $0xFFFFF086  }
0x25: {  	[simem:s6], [sflag:s4] =	dma.local [hbm:s3], $0xF7A  }
0x26: {  	[smem:$0x3F96] =	sst s1;
	(tag) =	ssettag s2;
	_ =	strace s9  }
0x27: {  	s1 =	sld [smem:$0x3FA6]  }
0x28: {  	s2 =	sld [smem:$0x3FA7]  }
0x29: {  	s4 =	sld [smem:$0x3FA9]  }
0x2a: {  	p0 =	seq.s32 s5, $0x0;
	s5 =	sld [smem:$0x3FAA]  }
0x2b: {  	s6 =	sld [smem:$0x3FAB]  }
0x2c: {  	s7 =	sld [smem:$0x3FAC]  }
0x2d: {  	s3 =	simm.s32 $0x108;
	s8 =	sld [smem:$0x3FAD]  }
0x2e: {  	s3 =	simm.s32 @!p0 $0x1082;
	s9 =	sld [smem:$0x3FAE]  }
0x2f: {  	lr =	sadd.s32 s0, s3;
	s0 =	sld [smem:$0x3FA5]  }
0x30: {  	s3 =	sld [smem:$0x3FA8]  }
0x31: {  	[smem:$0x3FB1] =	sst s10  }
0x32: {  	s10 =	sld [smem:$0x3FAF];
	_ =	sdelay $0x3  }
0x33: {  	p0 =	seq.s32 s10, $0x1;
	s10 =	sld [smem:$0x3FB1];
	_ =	sdelay $0x3  }
0x34: {  	[smem:$0x3FB1] =	sst s10  }
0x35: {  	s10 =	sld [smem:$0x3FB0];
	_ =	sdelay $0x3  }
0x36: {  	p1 =	seq.s32 s10, $0x1;
	s10 =	sld [smem:$0x3FB1];
	_ =	sdelay $0x3  }
0x37: {  	[smem:$0x3FB1] =	sst s10  }
0x38: {  	s10 =	sld [smem:$0x3FB2]  }
0x39: {  	_ = 	snop;
	(pc) =	sbr.ind lr, $3  }
0x3a: {  	_ = 	snop  }
0x3b: {  	_ = 	snop  }
0x3c: {  	p2 =	seq.s32 s10, $0x1;
	s10 =	sld [smem:$0x3FB1]  }
0x3d: {  	_ =	shalt  }
0x3e: {  	_ =	shalt  }
0x3f: {  	_ =	shalt  }
0x40: {  	_ =	shalt  }
0x41: {  	_ =	shalt  }
0x42: {  	_ =	shalt  }
0x43: {  	_ =	shalt  }
0x44: {  	_ =	shalt  }
0x45: {  	_ =	shalt  }
0x46: {  	_ =	shalt  }
0x47: {  	_ =	shalt  }
0x48: {  	_ =	shalt  }
0x49: {  	_ =	shalt  }
0x4a: {  	_ =	shalt  }
0x4b: {  	_ =	shalt  }
0x4c: {  	_ =	shalt  }
0x4d: {  	_ =	shalt  }
0x4e: {  	_ =	shalt  }
0x4f: {  	_ =	shalt  }
0x50: {  	_ =	shalt  }
0x51: {  	_ =	shalt  }
0x52: {  	_ =	shalt  }
0x53: {  	_ =	shalt  }
0x54: {  	_ =	shalt  }
0x55: {  	_ =	shalt  }
0x56: {  	_ =	shalt  }
0x57: {  	_ =	shalt  }
0x58: {  	_ =	shalt  }
0x59: {  	_ =	shalt  }
0x5a: {  	_ =	shalt  }
0x5b: {  	_ =	shalt  }
0x5c: {  	_ =	shalt  }
0x5d: {  	_ =	shalt  }
0x5e: {  	_ =	shalt  }
0x5f: {  	_ =	shalt  }
0x60: {  	_ =	shalt  }
0x61: {  	_ =	shalt  }
0x62: {  	_ =	shalt  }
0x63: {  	_ =	shalt  }
0x64: {  	_ =	shalt  }
0x65: {  	_ =	shalt  }
0x66: {  	_ =	shalt  }
0x67: {  	_ =	shalt  }
0x68: {  	_ =	shalt  }
0x69: {  	_ =	shalt  }
0x6a: {  	_ =	shalt  }
0x6b: {  	_ =	shalt  }
0x6c: {  	_ =	shalt  }
0x6d: {  	_ =	shalt  }
0x6e: {  	_ =	shalt  }
0x6f: {  	_ =	shalt  }
0x70: {  	_ =	shalt  }
0x71: {  	_ =	shalt  }
0x72: {  	_ =	shalt  }
0x73: {  	_ =	shalt  }
0x74: {  	_ =	shalt  }
0x75: {  	_ =	shalt  }
0x76: {  	_ =	shalt  }
0x77: {  	_ =	shalt  }
0x78: {  	_ =	shalt  }
0x79: {  	_ =	shalt  }
0x7a: {  	_ =	shalt  }
0x7b: {  	_ =	shalt  }
0x7c: {  	_ =	shalt  }
0x7d: {  	_ =	shalt  }
0x7e: {  	_ =	shalt  }
0x7f: {  	_ =	shalt  }
0x80: {  	_ =	shalt  }
0x81: {  	_ =	shalt  }
0x82: {  	_ =	shalt  }
0x83: {  	_ =	shalt  }
0x84: {  	_ =	shalt  }
0x85: {  	_ =	shalt  }
0x86: {  	_ =	shalt  }
0x87: {  	_ =	shalt  }
.Lfunc_end0:
.L_simem_size_0:
called_computation_lowered:
.L_overlay_start_0:
0x88: {  	s2 =	sld [smem:$0x3FD9]  }
0x89: {  	s3 =	sld [smem:$0x3FFE];
	_ =	sdelay $0x1  }
0x8a: {  	s1 =	srdreg.scid  }
0x8b: {  	s0 =	sand.u32 $0x1, s1  }
0x8c: {  	s17 =	sshll.u32 s0, $0xA;
	s2 =	sadd.s32 s3, s2  }
0x8d: {  	s2 =	sadd.s32 s2, s17  }
0x8e: {  	[smem:$0x3FBD] =	sst s2  }
0x8f: {  	_ = 	snop  }
0x90: {  	s2 =	sld [smem:$0x3FD0];
	(tm) =	ssettm $0x1  }
0x91: {  	s18 =	sld [smem:$0x3FFB];
	_ =	sdelay $0x3  }
0x92: {  	_ =	strace s18  }
0x93: {  	s3 =	sld [smem:$0x3FFC];
	_ =	sdelay $0x3  }
0x94: {  	_ =	strace s3  }
0x95: {  	s3 =	sld [smem:$0x3FFD];
	_ =	sdelay $0x3  }
0x96: {  	_ =	strace s3  }
0x97: {  	_ =	strace $0x8FFFFFFF  }
0x98: {  	s19 =	sld [smem:$0x3FDB];
	_ =	sdelay $0x1  }
0x99: {  	s4 =	simm.s32 $_scs_section_size  }
0x9a: {  	s5 =	simm.s32 $_size__tile_overlayer_lowered;
	s6 =	simm.s32 $_tile_overlayer_lowered  }
0x9b: {  	s22 =	simm.s32 $0x1BFF;
	s21 =	sshll.u32 s6, $0x1;
	s3 =	sadd.s32 s4, s19  }
0x9c: {  	s7 =	simm.s32 $0x0;
	s20 =	sshll.u32 s5, $0x1;
	s5 =	sadd.s32 s21, s3  }
0x9d: {  	[timem:s7], [sflag:s22] =	dma.local [hbm:s5], s20  }
0x9e: {  	_ =	swait.ge [sflag:s22], s20  }
0x9f: {  	s4 =	ssub.s32 $0x0, s20;
	[sflag:s22] =	ssyncset.done $0x0  }
0xa0: {  	[sflag:s22] =	ssyncadd.s32 s4;
	_ =	sdelay $0x1  }
0xa1: {  	s23 =	simm.s32 $0x1B8B  }
0xa2: {  	_ =	swait.ge [sflag:s23], $0x1  }
0xa3: {  	[sflag:s23] =	ssyncset.done $0x0  }
0xa4: {  	s25 =	simm.s32 $0x1B8E;
	s24 =	sld [smem:$0x3FFE];
	[sflag:s23] =	ssyncadd.s32 $0xFFFFFFFF  }
0xa5: {  	s26 =	simm.s32 $execute0_lowered;
	[smem:$0x3FD2] =	sst s25  }
0xa6: {  	s5 =	sshll.u32 s26, $0x1;
	_ =	strace $0x80000046;
	[dreg:$0x1] =	wrdreg $0xFFFFFFFF  }
0xa7: {  	s28 =	simm.s32 $_size_execute0_lowered;
	s3 =	sadd.s32 s3, s5;
	[dreg:$0x0] =	wrdreg $0x0  }
0xa8: {  	s5 =	sshll.u32 s28, $0x1;
	[dreg:$0x2] =	wrdreg s3  }
0xa9: {  	[dreg:$0x3] =	wrdreg s5  }
0xaa: {  	[dreg:$0x4] =	wrdreg $0xC0  }
0xab: {  	_ =	task [dreg:s7], $0x5FFFF  }
0xac: {  	[dreg:$0x1] =	wrdreg $0xFFFFFFFF  }
0xad: {  	[dreg:$0x0] =	wrdreg $0x60  }
0xae: {  	[dreg:$0x2] =	wrdreg s24  }
0xaf: {  	[dreg:$0x3] =	wrdreg s2  }
0xb0: {  	[dreg:$0x4] =	wrdreg $0x49000  }
0xb1: {  	[dreg:$0x5] =	wrdreg $0x9  }
0xb2: {  	_ =	task.clear_ibuf [dreg:s7], $0x6FFFF;
	_ =	strace $0x90000046  }
0xb3: {  	s29 =	simm.s32 $0x9;
	_ =	strace $0x80000048  }
0xb4: {  	_ =	swait.ge [sflag:s29], $0x1  }
0xb5: {  	[sflag:s29] =	ssyncadd.s32 $0xFFFFFFFF  }
0xb6: {  	_ =	strace $0x90000048  }
0xb7: {  	_ =	sfence  }
0xb8: {  	s30 =	sld [smem:$0x0];
	_ =	sdelay $0x2  }
0xb9: {  	s31 =	sshll.u32 s1, $0xD;
	s1 =	sshrl.u32 s1, $0x2  }
0xba: {  	s3 =	sand.u32 $0x4000, s31;
	s1 =	sadd.s32 s1, s30  }
0xbb: {  	s0 =	sor.u32 s3, s0;
	s1 =	sshll.u32 s1, $0x11  }
0xbc: {  	s0 =	sor.u32 s1, s0  }
0xbd: {  	s0 =	sadd.s32 $0x8F2B, s0  }
0xbe: {  	[sflag:s0] =	ssyncadd.remote.s32 $0x1  }
0xbf: {  	_ =	sfence.sel $0xFFFF  }
0xc0: {  	[dreg:$0x0] =	wrdreg $0xFFFFFFFF;
	(pc) =	sbr.abs _section_cstart, $3  }
0xc1: {  	[dreg:$0x1] =	wrdreg $0xFFFFFFFF  }
0xc2: {  	_ =	task.clear_ibuf [dreg:s7], $0x2FFFF;
	_ =	strace $0x9FFFFFFF  }
0xc3: {  	(tm) =	ssettm $0x7FFFFFFF  }
tec
execute0_lowered:
.L_overlay_start_1:
0x0: {  	(tag) =	ssettag $0x1  }
0x1: {  	s6 =	rddreg [dreg:$0x0]  }
0x2: {  	s17 =	rddreg [dreg:$0x1]  }
0x3: {  	s2 =	rddreg [dreg:$0x2]  }
0x4: {  	s0 =	rddreg [dreg:$0x3]  }
0x5: {  	s3 =	simm.s32 $0x0;
	s1 =	stileid.u32;
	s4 =	srdreg.scid  }
0x6: {  	s20 =	simm.s32 $0x2;
	s21 =	simm.s32 $0x80;
	s22 =	simm.s32 $0x4E800  }
0x7: {  	s23 =	simm.s32 $0x1;
	s24 =	simm.s32 $0x0;
	s7 =	smul.u32 $0x280, s1  }
0x8: {  	[smem:$0x7FF] =	sst s3;
	s11 =	sand.u32 $0x1, s4;
	s8 =	smul.u32 $0x5A000, s1  }
0x9: {  	s4 =	sadd.s32 $0xE00, s6;
	s5 =	sadd.s32 $0x2DE00, s6;
	s18 =	smul.u32 $0x3D0, s1  }
0xa: {  	s12 =	sadd.s32 $0x2E800, s6;
	s19 =	smul.u32 $0x600, s1;
	_ =	strace $0x80000047  }
0xb: {  	s9 =	smul.u32 $0x2800, s11;
	s10 =	ssub.s32 $0x2, s11;
	p0 =	seq.s32 s11, $0x1  }
0xc: {  	s30 =	sshrl.u32 s8, $0x2;
	s31 =	sshrl.u32 s10, $0x1;
	s18 =	sadd.s32 s18, s17  }
0xd: {  	s17 =	sadd.s32 s19, s17;
	s19 =	simm.s32 $0x100;
	s13 =	sadd.s32 s7, s9  }
0xe: {  	s6 =	sadd.s32 s30, s2;
	s16 =	ssub.s32 s10, s31;
	s14 =	smul.u32 $0x90, s13  }
.Ltmp0:
0xf: {  	s18 =	sadd.s32 $0x6000, s18;
	s7 =	sadd.s32 $0x4800, s6;
	(pc) =	sbr.rel .LBB2_1-.Ltmp0, $4  }
0x10: {  	s8 =	sadd.s32 $0x9000, s6;
	s13 =	smul.u32 $0x12, s13;
	s14 =	sshrl.u32 s14, $0x3  }
0x11: {  	s9 =	sadd.s32 $0xD800, s6;
	s10 =	sadd.s32 $0x12000, s6;
	s15 =	sadd.s32 s12, s14  }
0x12: {  	s16 =	smax.u32 s16, $0x1;
	s11 =	sadd.s32 s12, s13;
	s12 =	sadd.s32 $0x900, s15  }
0x13: {  	s13 =	sadd.s32 $0x1200, s15;
	s14 =	sadd.s32 $0x1B00, s15;
	s15 =	sadd.s32 $0x2400, s15  }
.LBB2_7:
0x14: {  	s25 =	sadd.s32 s25, s18;
	[sflag:s20] =	ssyncadd.s32 $0xFFFFB800  }
0x15: {  	[tilespmem:s3], [sflag:$0x2] =	stream.strided.gather [hbm4b:s25+s21], $0x100, s22, s21, $0x38;
	[tilespmem:$0x1B100] =	vst v63  }
0x16: {  	_ =	swait.ge [sflag:s20], $0x100  }
0x17: {  	[sflag:s20] =	ssyncset.done $0x0  }
0x18: {  	[sflag:s20] =	ssyncadd.s32 $0xFFFFFF00  }
0x19: {  	[tilespmem:s19], [sflag:$0x1] =	stream.indirect.gather [hbm4b:s4+s21], $0x90, s3, s21, $0xb8;
	[tilespmem:$0x1B100] =	vst v63  }
0x1a: {  	_ =	swait.ge [sflag:s23], $0x4800  }
0x1b: {  	[sflag:s23] =	ssyncset.done $0x0  }
0x1c: {  	[sflag:s23] =	ssyncadd.s32 $0xFFFFB800  }
0x1d: {  	[spmem:s2] =	stream.indirect.scatter.add.f32 [tilespmem:s19], [sflag:$0x2], $0x90, s21, s21, $0xb8;
	[tilespmem:$0x1B100] =	vst v63  }
0x1e: {  	_ =	swait.ge [sflag:s20], $0x4800  }
0x1f: {  	[sflag:s20] =	ssyncset.done $0x0  }
0x20: {  	[sflag:s20] =	ssyncadd.s32 $0xFFFFB800  }
.LBB2_8:
0x21: {  	[bflag:$0x0] =	sbarrier.arrive $0xFFFF  }
0x22: {  	[tilespmem:s19], [sflag:$0x2] =	stream.linear.gather [spmem:s6], $0x4800, $0x38;
	[tilespmem:$0x1B100] =	vst v63  }
0x23: {  	_ =	swait.ge [sflag:s20], $0x4800  }
0x24: {  	[sflag:s20] =	ssyncset.done $0x0  }
0x25: {  	[sflag:s20] =	ssyncadd.s32 $0xFFFFB800  }
0x26: {  	[hbm4b:s11+s3] =	stream.linear.scatter [tilespmem:s19], [sflag:$0x2], $0x4800, $0x38;
	[tilespmem:$0x1B100] =	vst v63  }
0x27: {  	_ =	swait.ge [sflag:s20], $0x4800  }
0x28: {  	[sflag:s20] =	ssyncset.done $0x0  }
0x29: {  	[sflag:s20] =	ssyncadd.s32 $0xFFFFB800  }
0x2a: {  	[tilespmem:s19], [sflag:$0x2] =	stream.linear.gather [spmem:s7], $0x4800, $0x38;
	[tilespmem:$0x1B100] =	vst v63  }
0x2b: {  	_ =	swait.ge [sflag:s20], $0x4800  }
0x2c: {  	[sflag:s20] =	ssyncset.done $0x0  }
0x2d: {  	[sflag:s20] =	ssyncadd.s32 $0xFFFFB800  }
0x2e: {  	[hbm4b:s12+s3] =	stream.linear.scatter [tilespmem:s19], [sflag:$0x2], $0x4800, $0x38;
	[tilespmem:$0x1B100] =	vst v63  }
0x2f: {  	_ =	swait.ge [sflag:s20], $0x4800  }
0x30: {  	[sflag:s20] =	ssyncset.done $0x0  }
0x31: {  	[sflag:s20] =	ssyncadd.s32 $0xFFFFB800  }
0x32: {  	[tilespmem:s19], [sflag:$0x2] =	stream.linear.gather [spmem:s8], $0x4800, $0x38;
	[tilespmem:$0x1B100] =	vst v63  }
0x33: {  	_ =	swait.ge [sflag:s20], $0x4800  }
0x34: {  	[sflag:s20] =	ssyncset.done $0x0  }
0x35: {  	[sflag:s20] =	ssyncadd.s32 $0xFFFFB800  }
0x36: {  	[hbm4b:s13+s3] =	stream.linear.scatter [tilespmem:s19], [sflag:$0x2], $0x4800, $0x38;
	[tilespmem:$0x1B100] =	vst v63  }
0x37: {  	_ =	swait.ge [sflag:s20], $0x4800  }
0x38: {  	[sflag:s20] =	ssyncset.done $0x0  }
0x39: {  	[sflag:s20] =	ssyncadd.s32 $0xFFFFB800  }
0x3a: {  	[tilespmem:s19], [sflag:$0x2] =	stream.linear.gather [spmem:s9], $0x4800, $0x38;
	[tilespmem:$0x1B100] =	vst v63  }
0x3b: {  	_ =	swait.ge [sflag:s20], $0x4800  }
0x3c: {  	[sflag:s20] =	ssyncset.done $0x0  }
0x3d: {  	[sflag:s20] =	ssyncadd.s32 $0xFFFFB800  }
0x3e: {  	[hbm4b:s14+s3] =	stream.linear.scatter [tilespmem:s19], [sflag:$0x2], $0x4800, $0x38;
	[tilespmem:$0x1B100] =	vst v63  }
0x3f: {  	_ =	swait.ge [sflag:s20], $0x4800  }
0x40: {  	[sflag:s20] =	ssyncset.done $0x0  }
0x41: {  	[sflag:s20] =	ssyncadd.s32 $0xFFFFB800  }
0x42: {  	[tilespmem:s19], [sflag:$0x2] =	stream.linear.gather [spmem:s10], $0x4800, $0x38;
	[tilespmem:$0x1B100] =	vst v63  }
0x43: {  	s24 =	sadd.s32 $0x1, s24;
	_ =	swait.ge [sflag:s20], $0x4800  }
0x44: {  	p1 =	sne.s32 s24, s16;
	[sflag:s20] =	ssyncset.done $0x0  }
.Ltmp1:
0x45: {  	[sflag:s20] =	ssyncadd.s32 $0xFFFFB800;
	(pc) =	sbr.rel @!p1 .LBB2_9-.Ltmp1, $4  }
0x46: {  	[hbm4b:s15+s3] =	stream.linear.scatter [tilespmem:s19], [sflag:$0x2], $0x4800, $0x38;
	[tilespmem:$0x1B100] =	vst v63  }
0x47: {  	_ =	swait.ge [sflag:s20], $0x4800  }
0x48: {  	[sflag:s20] =	ssyncset.done $0x0  }
0x49: {  	[sflag:s20] =	ssyncadd.s32 $0xFFFFB800  }
.LBB2_1:
0x4a: {  	[tilespmem:s19], [sflag:$0x2] =	stream.linear.gather [hbm4b:s5+s3], $0x4800, $0x38;
	[tilespmem:$0x1B100] =	vst v63  }
0x4b: {  	_ =	swait.ge [sflag:s20], $0x4800  }
0x4c: {  	[sflag:s20] =	ssyncset.done $0x0  }
0x4d: {  	[sflag:s20] =	ssyncadd.s32 $0xFFFFB800  }
0x4e: {  	[spmem:s6] =	stream.linear.scatter [tilespmem:s19], [sflag:$0x2], $0x4800, $0x38;
	[tilespmem:$0x1B100] =	vst v63  }
0x4f: {  	_ =	swait.ge [sflag:s20], $0x4800  }
0x50: {  	[sflag:s20] =	ssyncset.done $0x0  }
0x51: {  	[sflag:s20] =	ssyncadd.s32 $0xFFFFB800  }
0x52: {  	[spmem:s7] =	stream.linear.scatter [tilespmem:s19], [sflag:$0x2], $0x4800, $0x38;
	[tilespmem:$0x1B100] =	vst v63  }
0x53: {  	_ =	swait.ge [sflag:s20], $0x4800  }
0x54: {  	[sflag:s20] =	ssyncset.done $0x0  }
0x55: {  	[sflag:s20] =	ssyncadd.s32 $0xFFFFB800  }
0x56: {  	[spmem:s8] =	stream.linear.scatter [tilespmem:s19], [sflag:$0x2], $0x4800, $0x38;
	[tilespmem:$0x1B100] =	vst v63  }
0x57: {  	_ =	swait.ge [sflag:s20], $0x4800  }
0x58: {  	[sflag:s20] =	ssyncset.done $0x0  }
0x59: {  	[sflag:s20] =	ssyncadd.s32 $0xFFFFB800  }
0x5a: {  	[spmem:s9] =	stream.linear.scatter [tilespmem:s19], [sflag:$0x2], $0x4800, $0x38;
	[tilespmem:$0x1B100] =	vst v63  }
0x5b: {  	_ =	swait.ge [sflag:s20], $0x4800  }
0x5c: {  	[sflag:s20] =	ssyncset.done $0x0  }
0x5d: {  	[sflag:s20] =	ssyncadd.s32 $0xFFFFB800  }
0x5e: {  	[spmem:s10] =	stream.linear.scatter [tilespmem:s19], [sflag:$0x2], $0x4800, $0x38;
	[tilespmem:$0x1B100] =	vst v63  }
.Ltmp2:
0x5f: {  	_ =	swait.ge [sflag:s20], $0x4800;
	(pc) =	sbr.rel @!p0 .LBB2_2-.Ltmp2, $3  }
0x60: {  	[sflag:s20] =	ssyncset.done $0x0  }
0x61: {  	[sflag:s20] =	ssyncadd.s32 $0xFFFFB800  }
0x62: {  	[bflag:$0x0] =	sbarrier.arrive $0xFFFF;
	_ =	sdelay $0x1  }
0x63: {  	s25 =	sadd.s32 $0x0, s18  }
0x64: {  	[tilespmem:s3], [sflag:$0x2] =	stream.strided.gather [hbm4b:s25+s21], $0x100, s22, s21, $0x38;
	[tilespmem:$0x1B100] =	vst v63  }
0x65: {  	_ =	swait.ge [sflag:s20], $0x100  }
0x66: {  	[sflag:s20] =	ssyncset.done $0x0  }
0x67: {  	[sflag:s20] =	ssyncadd.s32 $0xFFFFFF00  }
0x68: {  	[tilespmem:s19], [sflag:$0x1] =	stream.indirect.gather [hbm4b:s4+s21], $0x90, s3, s21, $0xb8;
	[tilespmem:$0x1B100] =	vst v63  }
0x69: {  	_ =	swait.ge [sflag:s23], $0x4800  }
0x6a: {  	[sflag:s23] =	ssyncset.done $0x0  }
0x6b: {  	[sflag:s23] =	ssyncadd.s32 $0xFFFFB800  }
0x6c: {  	[spmem:s2] =	stream.indirect.scatter.add.f32 [tilespmem:s19], [sflag:$0x2], $0x90, s21, s21, $0xb8;
	[tilespmem:$0x1B100] =	vst v63  }
0x6d: {  	_ =	swait.ge [sflag:s20], $0x4800  }
0x6e: {  	s26 =	simm.s32 $0x20;
	s25 =	simm.s32 $0x10;
	[sflag:s20] =	ssyncset.done $0x0  }
.LBB2_6:
0x6f: {  	s28 =	sadd.s32 s25, s18  }
0x70: {  	[sflag:s20] =	ssyncadd.s32 $0xFFFFB800;
	s25 =	smov.u32 s26;
	s29 =	sadd.s32 $0x10, s26  }
0x71: {  	[tilespmem:s3], [sflag:$0x2] =	stream.strided.gather [hbm4b:s28+s21], $0x100, s22, s21, $0x38;
	[tilespmem:$0x1B100] =	vst v63  }
0x72: {  	p1 =	sne.s32 s26, $0x3C0;
	_ =	swait.ge [sflag:s20], $0x100  }
0x73: {  	[sflag:s20] =	ssyncset.done $0x0  }
0x74: {  	[sflag:s20] =	ssyncadd.s32 $0xFFFFFF00  }
0x75: {  	[tilespmem:s19], [sflag:$0x1] =	stream.indirect.gather [hbm4b:s4+s21], $0x90, s3, s21, $0xb8;
	[tilespmem:$0x1B100] =	vst v63  }
0x76: {  	_ =	swait.ge [sflag:s23], $0x4800  }
.Ltmp3:
0x77: {  	[sflag:s23] =	ssyncset.done $0x0;
	(pc) =	sbr.rel @p1 .LBB2_6-.Ltmp3, $4  }
0x78: {  	[sflag:s23] =	ssyncadd.s32 $0xFFFFB800  }
0x79: {  	[spmem:s2] =	stream.indirect.scatter.add.f32 [tilespmem:s19], [sflag:$0x2], $0x90, s21, s21, $0xb8;
	[tilespmem:$0x1B100] =	vst v63  }
0x7a: {  	_ =	swait.ge [sflag:s20], $0x4800  }
0x7b: {  	s26 =	smov.u32 s29;
	[sflag:s20] =	ssyncset.done $0x0  }
.Ltmp4:
0x7c: {  	_ = 	snop;
	(pc) =	sbr.rel .LBB2_7-.Ltmp4, $1  }
0x7d: {  	_ =	sdelay $0x3  }
.LBB2_2:
0x7e: {  	s25 =	sadd.s32 $0x0, s17  }
0x7f: {  	[tilespmem:s3], [sflag:$0x2] =	stream.strided.gather [hbm4b:s25+s21], $0x100, s22, s21, $0x38;
	[tilespmem:$0x1B100] =	vst v63  }
0x80: {  	_ =	swait.ge [sflag:s20], $0x100  }
0x81: {  	[sflag:s20] =	ssyncset.done $0x0  }
0x82: {  	[sflag:s20] =	ssyncadd.s32 $0xFFFFFF00  }
0x83: {  	[tilespmem:s19], [sflag:$0x1] =	stream.indirect.gather [hbm4b:s4+s21], $0x90, s3, s21, $0xb8;
	[tilespmem:$0x1B100] =	vst v63  }
0x84: {  	_ =	swait.ge [sflag:s23], $0x4800  }
0x85: {  	[sflag:s23] =	ssyncset.done $0x0  }
0x86: {  	[sflag:s23] =	ssyncadd.s32 $0xFFFFB800  }
0x87: {  	[spmem:s2] =	stream.indirect.scatter.add.f32 [tilespmem:s19], [sflag:$0x2], $0x90, s21, s21, $0xb8;
	[tilespmem:$0x1B100] =	vst v63  }
0x88: {  	_ =	swait.ge [sflag:s20], $0x4800  }
0x89: {  	s26 =	simm.s32 $0x20;
	s25 =	simm.s32 $0x10;
	[sflag:s20] =	ssyncset.done $0x0  }
.LBB2_3:
0x8a: {  	s28 =	sadd.s32 s25, s17  }
0x8b: {  	[sflag:s20] =	ssyncadd.s32 $0xFFFFB800;
	s25 =	smov.u32 s26;
	s29 =	sadd.s32 $0x10, s26  }
0x8c: {  	[tilespmem:s3], [sflag:$0x2] =	stream.strided.gather [hbm4b:s28+s21], $0x100, s22, s21, $0x38;
	[tilespmem:$0x1B100] =	vst v63  }
0x8d: {  	p1 =	seq.s32 s26, $0x5F0;
	_ =	swait.ge [sflag:s20], $0x100  }
0x8e: {  	[sflag:s20] =	ssyncset.done $0x0  }
0x8f: {  	[sflag:s20] =	ssyncadd.s32 $0xFFFFFF00  }
0x90: {  	[tilespmem:s19], [sflag:$0x1] =	stream.indirect.gather [hbm4b:s4+s21], $0x90, s3, s21, $0xb8;
	[tilespmem:$0x1B100] =	vst v63  }
0x91: {  	_ =	swait.ge [sflag:s23], $0x4800  }
.Ltmp5:
0x92: {  	[sflag:s23] =	ssyncset.done $0x0;
	(pc) =	sbr.rel @!p1 .LBB2_3-.Ltmp5, $4  }
0x93: {  	[sflag:s23] =	ssyncadd.s32 $0xFFFFB800  }
0x94: {  	[spmem:s2] =	stream.indirect.scatter.add.f32 [tilespmem:s19], [sflag:$0x2], $0x90, s21, s21, $0xb8;
	[tilespmem:$0x1B100] =	vst v63  }
0x95: {  	_ =	swait.ge [sflag:s20], $0x4800  }
0x96: {  	s26 =	smov.u32 s29;
	[sflag:s20] =	ssyncset.done $0x0  }
0x97: {  	s25 =	sadd.s32 s25, s17;
	[sflag:s20] =	ssyncadd.s32 $0xFFFFB800  }
0x98: {  	[tilespmem:s3], [sflag:$0x2] =	stream.strided.gather [hbm4b:s25+s21], $0x100, s22, s21, $0x38;
	[tilespmem:$0x1B100] =	vst v63  }
0x99: {  	_ =	swait.ge [sflag:s20], $0x100  }
0x9a: {  	[sflag:s20] =	ssyncset.done $0x0  }
0x9b: {  	[sflag:s20] =	ssyncadd.s32 $0xFFFFFF00  }
0x9c: {  	[tilespmem:s19], [sflag:$0x1] =	stream.indirect.gather [hbm4b:s4+s21], $0x90, s3, s21, $0xb8;
	[tilespmem:$0x1B100] =	vst v63  }
0x9d: {  	_ =	swait.ge [sflag:s23], $0x4800  }
0x9e: {  	[sflag:s23] =	ssyncset.done $0x0  }
.Ltmp6:
0x9f: {  	[sflag:s23] =	ssyncadd.s32 $0xFFFFB800;
	(pc) =	sbr.rel .LBB2_8-.Ltmp6, $4  }
0xa0: {  	[spmem:s2] =	stream.indirect.scatter.add.f32 [tilespmem:s19], [sflag:$0x2], $0x90, s21, s21, $0xb8;
	[tilespmem:$0x1B100] =	vst v63  }
0xa1: {  	_ =	swait.ge [sflag:s20], $0x4800  }
0xa2: {  	[sflag:s20] =	ssyncset.done $0x0  }
0xa3: {  	[sflag:s20] =	ssyncadd.s32 $0xFFFFB800  }
.LBB2_9:
0xa4: {  	_ =	sfence.sel $0x180000  }
0xa5: {  	[bflag:$0x0] =	sbarrier.arrive $0xFFFF  }
0xa6: {  	p0 =	sne.s32 s1, $0x0;
	_ =	strace $0x90000047  }
0xa7: {  	s0 =	sadd.s32 @!p0 $0x100000, s0;
	[bflag:$0x2] =	sbarrier.arrive $0xFFFF  }
0xa8: {  	[sflag:s0] =	ssyncadd.tile.s32 @!p0 $0x1;
	_ =	shalt  }
.Lfunc_end2:
_tile_overlayer_lowered:
.L_overlay_start_2:
0xa9: {  	(tag) =	ssettag $0x2  }
0xaa: {  	s0 =	rddreg [dreg:$0x0];
	s2 =	stileid.u32  }
0xab: {  	s1 =	rddreg [dreg:$0x1];
	p0 =	sne.s32 s2, $0x0  }
0xac: {  	s3 =	rddreg [dreg:$0x2];
	[bflag:$0x3] =	sbarrier.arrive $0xFFFF;
	s2 =	simm.s32 @!p0 $0x1C02  }
0xad: {  	[timem:s3], [sflag:s2] =	dma.local @!p0 [hbm:s0], s1  }
0xae: {  	s0 =	simm.s32 @!p0 $0x2  }
0xaf: {  	_ =	swait.ge @!p0 [sflag:s0], s1  }
0xb0: {  	s1 =	ssub.s32 @!p0 $0x0, s1;
	[sflag:s0] =	ssyncset.done @!p0 $0x0  }
0xb1: {  	[sflag:s0] =	ssyncadd.s32 @!p0 s1  }
0xb2: {  	[bflag:$0x3] =	sbarrier.arrive $0xFFFF  }
0xb3: {  	_ =	shalt  }

// kernel: kernel.9.cloned.1.call-start
scs
__scs_entry_jumppad:
0x0: {  	(pc) =	sbr.rel $0x88, $3  }
0x1: {  	(tag) =	ssettag $0x0;
	lr =	simm.s32 $0x1  }
0x2: {  	[smem:$0x3F96] =	sst lr;
	_ =	strace $0xD0000000  }
0x3: {  	_ = 	snop  }
0x4: {  	_ = 	snop  }
0x5: {  	_ = 	snop  }
0x6: {  	_ = 	snop  }
0x7: {  	_ = 	snop  }
__scs_overlays_trampoline_lowered:
0x8: {  	[smem:$0x3FA5] =	sst s0  }
0x9: {  	[smem:$0x3FA6] =	sst s1  }
0xa: {  	[smem:$0x3FA7] =	sst s2  }
0xb: {  	[smem:$0x3FA8] =	sst s3  }
0xc: {  	[smem:$0x3FA9] =	sst s4  }
0xd: {  	[smem:$0x3FAA] =	sst s5  }
0xe: {  	[smem:$0x3FAB] =	sst s6  }
0xf: {  	[smem:$0x3FAC] =	sst s7  }
0x10: {  	[smem:$0x3FAD] =	sst s8  }
0x11: {  	[smem:$0x3FAE] =	sst s9;
	s0 =	simm.s32 @!p0 $0x0  }
0x12: {  	s1 =	sld [smem:$0x3F94];
	s0 =	simm.s32 @p0 $0x1  }
0x13: {  	[smem:$0x3FAF] =	sst s0;
	s0 =	simm.s32 @!p1 $0x0  }
0x14: {  	s2 =	sld [smem:$0x3F93];
	s0 =	simm.s32 @p1 $0x1  }
0x15: {  	[smem:$0x3FB0] =	sst s0;
	s0 =	simm.s32 @!p2 $0x0  }
0x16: {  	s3 =	sld [smem:$0x3FDB];
	s0 =	simm.s32 @p2 $0x1  }
0x17: {  	s4 =	simm.s32 $0x1BF5;
	[smem:$0x3FB2] =	sst s0  }
0x18: {  	s0 =	sld [smem:$0x3F95];
	_ =	swait.ge [sflag:s4], $0x0  }
0x19: {  	s7 =	sld [smem:$0x3F96]  }
0x1a: {  	s8 =	sadd.s32 $0xFFFFE003, lr  }
0x1b: {  	s9 =	sadd.s32 $0xFFFFFEF7, lr;
	s5 =	simm.s32 $0xFFFFFFFF;
	p2 =	slt.u32 s8, $0xFFFFF086  }
0x1c: {  	p1 =	slt.u32 s9, $0xF7A;
	s5 =	simm.s32 @!p2 $0x0  }
0x1d: {  	s5 =	simm.s32 @p1 $0x1;
	p0 =	seq.s32 s7, s2  }
0x1e: {  	s7 =	smul.u32 @!p0 $0xF7A, s2;
	p2 =	seq.s32 @!p0 s5, $0x0  }
0x1f: {  	s9 =	smul.u32 $0xF7A, s1;
	s8 =	simm.s32 @!p0 $0x1BF5;
	p2 =	por !p2, p0  }
0x20: {  	[sflag:s8] =	ssyncset.s32 @!p0 $0xFFFFF086;
	s6 =	sadd.s32 @!p0 s3, s7;
	s7 =	simm.s32 @!p0 $0x108  }
0x21: {  	s3 =	sadd.s32 s3, s9;
	s6 =	sadd.s32 @!p0 $0x88, s6;
	s7 =	simm.s32 @p2 $0x1082  }
0x22: {  	[simem:s7], [sflag:s8] =	dma.local @!p0 [hbm:s6], $0xF7A  }
0x23: {  	s9 =	sor.u32 $0xD0000000, s2;
	s6 =	simm.s32 $0x108;
	_ =	swait.ge @!p0 [sflag:s8], $0x0  }
0x24: {  	s3 =	sadd.s32 $0x88, s3;
	s6 =	simm.s32 @!p1 $0x1082;
	[sflag:s4] =	ssyncset.s32 $0xFFFFF086  }
0x25: {  	[simem:s6], [sflag:s4] =	dma.local [hbm:s3], $0xF7A  }
0x26: {  	[smem:$0x3F96] =	sst s1;
	(tag) =	ssettag s2;
	_ =	strace s9  }
0x27: {  	s1 =	sld [smem:$0x3FA6]  }
0x28: {  	s2 =	sld [smem:$0x3FA7]  }
0x29: {  	s4 =	sld [smem:$0x3FA9]  }
0x2a: {  	p0 =	seq.s32 s5, $0x0;
	s5 =	sld [smem:$0x3FAA]  }
0x2b: {  	s6 =	sld [smem:$0x3FAB]  }
0x2c: {  	s7 =	sld [smem:$0x3FAC]  }
0x2d: {  	s3 =	simm.s32 $0x108;
	s8 =	sld [smem:$0x3FAD]  }
0x2e: {  	s3 =	simm.s32 @!p0 $0x1082;
	s9 =	sld [smem:$0x3FAE]  }
0x2f: {  	lr =	sadd.s32 s0, s3;
	s0 =	sld [smem:$0x3FA5]  }
0x30: {  	s3 =	sld [smem:$0x3FA8]  }
0x31: {  	[smem:$0x3FB1] =	sst s10  }
0x32: {  	s10 =	sld [smem:$0x3FAF];
	_ =	sdelay $0x3  }
0x33: {  	p0 =	seq.s32 s10, $0x1;
	s10 =	sld [smem:$0x3FB1];
	_ =	sdelay $0x3  }
0x34: {  	[smem:$0x3FB1] =	sst s10  }
0x35: {  	s10 =	sld [smem:$0x3FB0];
	_ =	sdelay $0x3  }
0x36: {  	p1 =	seq.s32 s10, $0x1;
	s10 =	sld [smem:$0x3FB1];
	_ =	sdelay $0x3  }
0x37: {  	[smem:$0x3FB1] =	sst s10  }
0x38: {  	s10 =	sld [smem:$0x3FB2]  }
0x39: {  	_ = 	snop;
	(pc) =	sbr.ind lr, $3  }
0x3a: {  	_ = 	snop  }
0x3b: {  	_ = 	snop  }
0x3c: {  	p2 =	seq.s32 s10, $0x1;
	s10 =	sld [smem:$0x3FB1]  }
0x3d: {  	_ =	shalt  }
0x3e: {  	_ =	shalt  }
0x3f: {  	_ =	shalt  }
0x40: {  	_ =	shalt  }
0x41: {  	_ =	shalt  }
0x42: {  	_ =	shalt  }
0x43: {  	_ =	shalt  }
0x44: {  	_ =	shalt  }
0x45: {  	_ =	shalt  }
0x46: {  	_ =	shalt  }
0x47: {  	_ =	shalt  }
0x48: {  	_ =	shalt  }
0x49: {  	_ =	shalt  }
0x4a: {  	_ =	shalt  }
0x4b: {  	_ =	shalt  }
0x4c: {  	_ =	shalt  }
0x4d: {  	_ =	shalt  }
0x4e: {  	_ =	shalt  }
0x4f: {  	_ =	shalt  }
0x50: {  	_ =	shalt  }
0x51: {  	_ =	shalt  }
0x52: {  	_ =	shalt  }
0x53: {  	_ =	shalt  }
0x54: {  	_ =	shalt  }
0x55: {  	_ =	shalt  }
0x56: {  	_ =	shalt  }
0x57: {  	_ =	shalt  }
0x58: {  	_ =	shalt  }
0x59: {  	_ =	shalt  }
0x5a: {  	_ =	shalt  }
0x5b: {  	_ =	shalt  }
0x5c: {  	_ =	shalt  }
0x5d: {  	_ =	shalt  }
0x5e: {  	_ =	shalt  }
0x5f: {  	_ =	shalt  }
0x60: {  	_ =	shalt  }
0x61: {  	_ =	shalt  }
0x62: {  	_ =	shalt  }
0x63: {  	_ =	shalt  }
0x64: {  	_ =	shalt  }
0x65: {  	_ =	shalt  }
0x66: {  	_ =	shalt  }
0x67: {  	_ =	shalt  }
0x68: {  	_ =	shalt  }
0x69: {  	_ =	shalt  }
0x6a: {  	_ =	shalt  }
0x6b: {  	_ =	shalt  }
0x6c: {  	_ =	shalt  }
0x6d: {  	_ =	shalt  }
0x6e: {  	_ =	shalt  }
0x6f: {  	_ =	shalt  }
0x70: {  	_ =	shalt  }
0x71: {  	_ =	shalt  }
0x72: {  	_ =	shalt  }
0x73: {  	_ =	shalt  }
0x74: {  	_ =	shalt  }
0x75: {  	_ =	shalt  }
0x76: {  	_ =	shalt  }
0x77: {  	_ =	shalt  }
0x78: {  	_ =	shalt  }
0x79: {  	_ =	shalt  }
0x7a: {  	_ =	shalt  }
0x7b: {  	_ =	shalt  }
0x7c: {  	_ =	shalt  }
0x7d: {  	_ =	shalt  }
0x7e: {  	_ =	shalt  }
0x7f: {  	_ =	shalt  }
0x80: {  	_ =	shalt  }
0x81: {  	_ =	shalt  }
0x82: {  	_ =	shalt  }
0x83: {  	_ =	shalt  }
0x84: {  	_ =	shalt  }
0x85: {  	_ =	shalt  }
0x86: {  	_ =	shalt  }
0x87: {  	_ =	shalt  }
.Lfunc_end0:
.L_simem_size_0:
called_computation.1_lowered:
.L_overlay_start_0:
0x88: {  	s2 =	sld [smem:$0x3FD9]  }
0x89: {  	s3 =	sld [smem:$0x3FFE];
	_ =	sdelay $0x1  }
0x8a: {  	s1 =	srdreg.scid  }
0x8b: {  	s0 =	sand.u32 $0x1, s1  }
0x8c: {  	s17 =	sshll.u32 s0, $0xA;
	s2 =	sadd.s32 s3, s2  }
0x8d: {  	s2 =	sadd.s32 s2, s17  }
0x8e: {  	[smem:$0x3FBD] =	sst s2  }
0x8f: {  	_ = 	snop  }
0x90: {  	s2 =	sld [smem:$0x3FD0];
	(tm) =	ssettm $0x1  }
0x91: {  	s18 =	sld [smem:$0x3FFB];
	_ =	sdelay $0x3  }
0x92: {  	_ =	strace s18  }
0x93: {  	s3 =	sld [smem:$0x3FFC];
	_ =	sdelay $0x3  }
0x94: {  	_ =	strace s3  }
0x95: {  	s3 =	sld [smem:$0x3FFD];
	_ =	sdelay $0x3  }
0x96: {  	_ =	strace s3  }
0x97: {  	_ =	strace $0x8FFFFFFF  }
0x98: {  	s19 =	sld [smem:$0x3FDB];
	_ =	sdelay $0x1  }
0x99: {  	s4 =	simm.s32 $_scs_section_size  }
0x9a: {  	s5 =	simm.s32 $_size__tile_overlayer_lowered;
	s6 =	simm.s32 $_tile_overlayer_lowered  }
0x9b: {  	s22 =	simm.s32 $0x1BFF;
	s21 =	sshll.u32 s6, $0x1;
	s3 =	sadd.s32 s4, s19  }
0x9c: {  	s7 =	simm.s32 $0x0;
	s20 =	sshll.u32 s5, $0x1;
	s5 =	sadd.s32 s21, s3  }
0x9d: {  	[timem:s7], [sflag:s22] =	dma.local [hbm:s5], s20  }
0x9e: {  	_ =	swait.ge [sflag:s22], s20  }
0x9f: {  	s4 =	ssub.s32 $0x0, s20;
	[sflag:s22] =	ssyncset.done $0x0  }
0xa0: {  	[sflag:s22] =	ssyncadd.s32 s4;
	_ =	sdelay $0x1  }
0xa1: {  	s23 =	simm.s32 $0x1B8B  }
0xa2: {  	_ =	swait.ge [sflag:s23], $0x1  }
0xa3: {  	[sflag:s23] =	ssyncset.done $0x0  }
0xa4: {  	s25 =	simm.s32 $0x1B8E;
	s24 =	sld [smem:$0x3FFE];
	[sflag:s23] =	ssyncadd.s32 $0xFFFFFFFF  }
0xa5: {  	s26 =	simm.s32 $execute0_lowered;
	[smem:$0x3FD2] =	sst s25  }
0xa6: {  	s5 =	sshll.u32 s26, $0x1;
	_ =	strace $0x80000049;
	[dreg:$0x1] =	wrdreg $0xFFFFFFFF  }
0xa7: {  	s28 =	simm.s32 $_size_execute0_lowered;
	s3 =	sadd.s32 s3, s5;
	[dreg:$0x0] =	wrdreg $0x0  }
0xa8: {  	s5 =	sshll.u32 s28, $0x1;
	[dreg:$0x2] =	wrdreg s3  }
0xa9: {  	[dreg:$0x3] =	wrdreg s5  }
0xaa: {  	[dreg:$0x4] =	wrdreg $0xC0  }
0xab: {  	_ =	task [dreg:s7], $0x5FFFF  }
0xac: {  	[dreg:$0x1] =	wrdreg $0xFFFFFFFF  }
0xad: {  	[dreg:$0x0] =	wrdreg $0x60  }
0xae: {  	[dreg:$0x2] =	wrdreg s24  }
0xaf: {  	[dreg:$0x3] =	wrdreg s2  }
0xb0: {  	[dreg:$0x4] =	wrdreg $0x29000  }
0xb1: {  	[dreg:$0x5] =	wrdreg $0x9  }
0xb2: {  	_ =	task.clear_ibuf [dreg:s7], $0x6FFFF;
	_ =	strace $0x90000049  }
0xb3: {  	s29 =	simm.s32 $0x9;
	_ =	strace $0x8000004B  }
0xb4: {  	_ =	swait.ge [sflag:s29], $0x1  }
0xb5: {  	[sflag:s29] =	ssyncadd.s32 $0xFFFFFFFF  }
0xb6: {  	_ =	strace $0x9000004B  }
0xb7: {  	_ =	sfence  }
0xb8: {  	s30 =	sld [smem:$0x0];
	_ =	sdelay $0x2  }
0xb9: {  	s31 =	sshll.u32 s1, $0xD;
	s1 =	sshrl.u32 s1, $0x2  }
0xba: {  	s3 =	sand.u32 $0x4000, s31;
	s1 =	sadd.s32 s1, s30  }
0xbb: {  	s0 =	sor.u32 s3, s0;
	s1 =	sshll.u32 s1, $0x11  }
0xbc: {  	s0 =	sor.u32 s1, s0  }
0xbd: {  	s0 =	sadd.s32 $0x8F2B, s0  }
0xbe: {  	[sflag:s0] =	ssyncadd.remote.s32 $0x1  }
0xbf: {  	_ =	sfence.sel $0xFFFF  }
0xc0: {  	[dreg:$0x0] =	wrdreg $0xFFFFFFFF;
	(pc) =	sbr.abs _section_cstart, $3  }
0xc1: {  	[dreg:$0x1] =	wrdreg $0xFFFFFFFF  }
0xc2: {  	_ =	task.clear_ibuf [dreg:s7], $0x2FFFF;
	_ =	strace $0x9FFFFFFF  }
0xc3: {  	(tm) =	ssettm $0x7FFFFFFF  }
tec
execute0_lowered:
.L_overlay_start_1:
0x0: {  	(tag) =	ssettag $0x1  }
0x1: {  	s6 =	rddreg [dreg:$0x0]  }
0x2: {  	s1 =	rddreg [dreg:$0x1]  }
0x3: {  	s3 =	rddreg [dreg:$0x2]  }
0x4: {  	s0 =	rddreg [dreg:$0x3]  }
0x5: {  	s4 =	simm.s32 $0x0;
	s2 =	stileid.u32;
	s5 =	srdreg.scid  }
0x6: {  	s20 =	simm.s32 $0x2;
	s21 =	simm.s32 $0x80;
	s22 =	simm.s32 $0x4E800  }
0x7: {  	s23 =	simm.s32 $0x1;
	s24 =	simm.s32 $0x0;
	s7 =	smul.u32 $0x280, s2  }
0x8: {  	[smem:$0x7FF] =	sst s4;
	s11 =	sand.u32 $0x1, s5;
	s8 =	smul.u32 $0x32000, s2  }
0x9: {  	s5 =	sadd.s32 $0xE00, s6;
	s17 =	sadd.s32 $0x88A00, s6;
	s18 =	smul.u32 $0x3D0, s2  }
0xa: {  	s12 =	sadd.s32 $0x19E00, s6;
	s19 =	smul.u32 $0x600, s2;
	_ =	strace $0x8000004A  }
0xb: {  	s9 =	smul.u32 $0x2800, s11;
	s10 =	ssub.s32 $0x2, s11;
	p0 =	seq.s32 s11, $0x1  }
0xc: {  	s30 =	sshrl.u32 s8, $0x2;
	s31 =	sshrl.u32 s10, $0x1;
	s18 =	sadd.s32 s18, s17  }
0xd: {  	s17 =	sadd.s32 s19, s17;
	s19 =	simm.s32 $0x100;
	s13 =	sadd.s32 s7, s9  }
0xe: {  	s6 =	sadd.s32 s30, s3;
	s16 =	ssub.s32 s10, s31;
	s14 =	smul.u32 $0x50, s13  }
.Ltmp0:
0xf: {  	s18 =	sadd.s32 $0x6000, s18;
	s7 =	sadd.s32 $0x2800, s6;
	(pc) =	sbr.rel .LBB2_1-.Ltmp0, $4  }
0x10: {  	s8 =	sadd.s32 $0x5000, s6;
	s13 =	smul.u32 $0xA, s13;
	s14 =	sshrl.u32 s14, $0x3  }
0x11: {  	s9 =	sadd.s32 $0x7800, s6;
	s10 =	sadd.s32 $0xA000, s6;
	s15 =	sadd.s32 s12, s14  }
0x12: {  	s16 =	smax.u32 s16, $0x1;
	s11 =	sadd.s32 s12, s13;
	s12 =	sadd.s32 $0x500, s15  }
0x13: {  	s13 =	sadd.s32 $0xA00, s15;
	s14 =	sadd.s32 $0xF00, s15;
	s15 =	sadd.s32 $0x1400, s15  }
.LBB2_7:
0x14: {  	s25 =	sadd.s32 s25, s18;
	[sflag:s20] =	ssyncadd.s32 $0xFFFFD800  }
0x15: {  	[tilespmem:s4], [sflag:$0x2] =	stream.strided.gather [hbm4b:s25+s21], $0x100, s22, s21, $0x38;
	[tilespmem:$0xF100] =	vst v63  }
0x16: {  	_ =	swait.ge [sflag:s20], $0x100  }
0x17: {  	[sflag:s20] =	ssyncset.done $0x0  }
0x18: {  	[sflag:s20] =	ssyncadd.s32 $0xFFFFFF00  }
0x19: {  	[tilespmem:s19], [sflag:$0x1] =	stream.indirect.gather [hbm4b:s5+s21], $0x50, s4, s21, $0xb8;
	[tilespmem:$0xF100] =	vst v63  }
0x1a: {  	_ =	swait.ge [sflag:s23], $0x2800  }
0x1b: {  	[sflag:s23] =	ssyncset.done $0x0  }
0x1c: {  	[sflag:s23] =	ssyncadd.s32 $0xFFFFD800  }
0x1d: {  	[spmem:s3] =	stream.indirect.scatter.add.f32 [tilespmem:s19], [sflag:$0x2], $0x50, s21, s21, $0xb8;
	[tilespmem:$0xF100] =	vst v63  }
0x1e: {  	_ =	swait.ge [sflag:s20], $0x2800  }
0x1f: {  	[sflag:s20] =	ssyncset.done $0x0  }
0x20: {  	[sflag:s20] =	ssyncadd.s32 $0xFFFFD800  }
.LBB2_8:
0x21: {  	[bflag:$0x0] =	sbarrier.arrive $0xFFFF  }
0x22: {  	[tilespmem:s19], [sflag:$0x2] =	stream.linear.gather [spmem:s6], $0x2800, $0x38;
	[tilespmem:$0xF100] =	vst v63  }
0x23: {  	_ =	swait.ge [sflag:s20], $0x2800  }
0x24: {  	[sflag:s20] =	ssyncset.done $0x0  }
0x25: {  	[sflag:s20] =	ssyncadd.s32 $0xFFFFD800  }
0x26: {  	[hbm4b:s11+s4] =	stream.linear.scatter [tilespmem:s19], [sflag:$0x2], $0x2800, $0x38;
	[tilespmem:$0xF100] =	vst v63  }
0x27: {  	_ =	swait.ge [sflag:s20], $0x2800  }
0x28: {  	[sflag:s20] =	ssyncset.done $0x0  }
0x29: {  	[sflag:s20] =	ssyncadd.s32 $0xFFFFD800  }
0x2a: {  	[tilespmem:s19], [sflag:$0x2] =	stream.linear.gather [spmem:s7], $0x2800, $0x38;
	[tilespmem:$0xF100] =	vst v63  }
0x2b: {  	_ =	swait.ge [sflag:s20], $0x2800  }
0x2c: {  	[sflag:s20] =	ssyncset.done $0x0  }
0x2d: {  	[sflag:s20] =	ssyncadd.s32 $0xFFFFD800  }
0x2e: {  	[hbm4b:s12+s4] =	stream.linear.scatter [tilespmem:s19], [sflag:$0x2], $0x2800, $0x38;
	[tilespmem:$0xF100] =	vst v63  }
0x2f: {  	_ =	swait.ge [sflag:s20], $0x2800  }
0x30: {  	[sflag:s20] =	ssyncset.done $0x0  }
0x31: {  	[sflag:s20] =	ssyncadd.s32 $0xFFFFD800  }
0x32: {  	[tilespmem:s19], [sflag:$0x2] =	stream.linear.gather [spmem:s8], $0x2800, $0x38;
	[tilespmem:$0xF100] =	vst v63  }
0x33: {  	_ =	swait.ge [sflag:s20], $0x2800  }
0x34: {  	[sflag:s20] =	ssyncset.done $0x0  }
0x35: {  	[sflag:s20] =	ssyncadd.s32 $0xFFFFD800  }
0x36: {  	[hbm4b:s13+s4] =	stream.linear.scatter [tilespmem:s19], [sflag:$0x2], $0x2800, $0x38;
	[tilespmem:$0xF100] =	vst v63  }
0x37: {  	_ =	swait.ge [sflag:s20], $0x2800  }
0x38: {  	[sflag:s20] =	ssyncset.done $0x0  }
0x39: {  	[sflag:s20] =	ssyncadd.s32 $0xFFFFD800  }
0x3a: {  	[tilespmem:s19], [sflag:$0x2] =	stream.linear.gather [spmem:s9], $0x2800, $0x38;
	[tilespmem:$0xF100] =	vst v63  }
0x3b: {  	_ =	swait.ge [sflag:s20], $0x2800  }
0x3c: {  	[sflag:s20] =	ssyncset.done $0x0  }
0x3d: {  	[sflag:s20] =	ssyncadd.s32 $0xFFFFD800  }
0x3e: {  	[hbm4b:s14+s4] =	stream.linear.scatter [tilespmem:s19], [sflag:$0x2], $0x2800, $0x38;
	[tilespmem:$0xF100] =	vst v63  }
0x3f: {  	_ =	swait.ge [sflag:s20], $0x2800  }
0x40: {  	[sflag:s20] =	ssyncset.done $0x0  }
0x41: {  	[sflag:s20] =	ssyncadd.s32 $0xFFFFD800  }
0x42: {  	[tilespmem:s19], [sflag:$0x2] =	stream.linear.gather [spmem:s10], $0x2800, $0x38;
	[tilespmem:$0xF100] =	vst v63  }
0x43: {  	s24 =	sadd.s32 $0x1, s24;
	_ =	swait.ge [sflag:s20], $0x2800  }
0x44: {  	p1 =	sne.s32 s24, s16;
	[sflag:s20] =	ssyncset.done $0x0  }
.Ltmp1:
0x45: {  	[sflag:s20] =	ssyncadd.s32 $0xFFFFD800;
	(pc) =	sbr.rel @!p1 .LBB2_9-.Ltmp1, $4  }
0x46: {  	[hbm4b:s15+s4] =	stream.linear.scatter [tilespmem:s19], [sflag:$0x2], $0x2800, $0x38;
	[tilespmem:$0xF100] =	vst v63  }
0x47: {  	_ =	swait.ge [sflag:s20], $0x2800  }
0x48: {  	[sflag:s20] =	ssyncset.done $0x0  }
0x49: {  	[sflag:s20] =	ssyncadd.s32 $0xFFFFD800  }
.LBB2_1:
0x4a: {  	[tilespmem:s19], [sflag:$0x2] =	stream.linear.gather [hbm4b:s1+s4], $0x2800, $0x38;
	[tilespmem:$0xF100] =	vst v63  }
0x4b: {  	_ =	swait.ge [sflag:s20], $0x2800  }
0x4c: {  	[sflag:s20] =	ssyncset.done $0x0  }
0x4d: {  	[sflag:s20] =	ssyncadd.s32 $0xFFFFD800  }
0x4e: {  	[spmem:s6] =	stream.linear.scatter [tilespmem:s19], [sflag:$0x2], $0x2800, $0x38;
	[tilespmem:$0xF100] =	vst v63  }
0x4f: {  	_ =	swait.ge [sflag:s20], $0x2800  }
0x50: {  	[sflag:s20] =	ssyncset.done $0x0  }
0x51: {  	[sflag:s20] =	ssyncadd.s32 $0xFFFFD800  }
0x52: {  	[spmem:s7] =	stream.linear.scatter [tilespmem:s19], [sflag:$0x2], $0x2800, $0x38;
	[tilespmem:$0xF100] =	vst v63  }
0x53: {  	_ =	swait.ge [sflag:s20], $0x2800  }
0x54: {  	[sflag:s20] =	ssyncset.done $0x0  }
0x55: {  	[sflag:s20] =	ssyncadd.s32 $0xFFFFD800  }
0x56: {  	[spmem:s8] =	stream.linear.scatter [tilespmem:s19], [sflag:$0x2], $0x2800, $0x38;
	[tilespmem:$0xF100] =	vst v63  }
0x57: {  	_ =	swait.ge [sflag:s20], $0x2800  }
0x58: {  	[sflag:s20] =	ssyncset.done $0x0  }
0x59: {  	[sflag:s20] =	ssyncadd.s32 $0xFFFFD800  }
0x5a: {  	[spmem:s9] =	stream.linear.scatter [tilespmem:s19], [sflag:$0x2], $0x2800, $0x38;
	[tilespmem:$0xF100] =	vst v63  }
0x5b: {  	_ =	swait.ge [sflag:s20], $0x2800  }
0x5c: {  	[sflag:s20] =	ssyncset.done $0x0  }
0x5d: {  	[sflag:s20] =	ssyncadd.s32 $0xFFFFD800  }
0x5e: {  	[spmem:s10] =	stream.linear.scatter [tilespmem:s19], [sflag:$0x2], $0x2800, $0x38;
	[tilespmem:$0xF100] =	vst v63  }
.Ltmp2:
0x5f: {  	_ =	swait.ge [sflag:s20], $0x2800;
	(pc) =	sbr.rel @!p0 .LBB2_2-.Ltmp2, $3  }
0x60: {  	[sflag:s20] =	ssyncset.done $0x0  }
0x61: {  	[sflag:s20] =	ssyncadd.s32 $0xFFFFD800  }
0x62: {  	[bflag:$0x0] =	sbarrier.arrive $0xFFFF;
	_ =	sdelay $0x1  }
0x63: {  	s25 =	sadd.s32 $0x0, s18  }
0x64: {  	[tilespmem:s4], [sflag:$0x2] =	stream.strided.gather [hbm4b:s25+s21], $0x100, s22, s21, $0x38;
	[tilespmem:$0xF100] =	vst v63  }
0x65: {  	_ =	swait.ge [sflag:s20], $0x100  }
0x66: {  	[sflag:s20] =	ssyncset.done $0x0  }
0x67: {  	[sflag:s20] =	ssyncadd.s32 $0xFFFFFF00  }
0x68: {  	[tilespmem:s19], [sflag:$0x1] =	stream.indirect.gather [hbm4b:s5+s21], $0x50, s4, s21, $0xb8;
	[tilespmem:$0xF100] =	vst v63  }
0x69: {  	_ =	swait.ge [sflag:s23], $0x2800  }
0x6a: {  	[sflag:s23] =	ssyncset.done $0x0  }
0x6b: {  	[sflag:s23] =	ssyncadd.s32 $0xFFFFD800  }
0x6c: {  	[spmem:s3] =	stream.indirect.scatter.add.f32 [tilespmem:s19], [sflag:$0x2], $0x50, s21, s21, $0xb8;
	[tilespmem:$0xF100] =	vst v63  }
0x6d: {  	_ =	swait.ge [sflag:s20], $0x2800  }
0x6e: {  	s26 =	simm.s32 $0x20;
	s25 =	simm.s32 $0x10;
	[sflag:s20] =	ssyncset.done $0x0  }
.LBB2_6:
0x6f: {  	s28 =	sadd.s32 s25, s18  }
0x70: {  	[sflag:s20] =	ssyncadd.s32 $0xFFFFD800;
	s25 =	smov.u32 s26;
	s29 =	sadd.s32 $0x10, s26  }
0x71: {  	[tilespmem:s4], [sflag:$0x2] =	stream.strided.gather [hbm4b:s28+s21], $0x100, s22, s21, $0x38;
	[tilespmem:$0xF100] =	vst v63  }
0x72: {  	p1 =	sne.s32 s26, $0x3C0;
	_ =	swait.ge [sflag:s20], $0x100  }
0x73: {  	[sflag:s20] =	ssyncset.done $0x0  }
0x74: {  	[sflag:s20] =	ssyncadd.s32 $0xFFFFFF00  }
0x75: {  	[tilespmem:s19], [sflag:$0x1] =	stream.indirect.gather [hbm4b:s5+s21], $0x50, s4, s21, $0xb8;
	[tilespmem:$0xF100] =	vst v63  }
0x76: {  	_ =	swait.ge [sflag:s23], $0x2800  }
.Ltmp3:
0x77: {  	[sflag:s23] =	ssyncset.done $0x0;
	(pc) =	sbr.rel @p1 .LBB2_6-.Ltmp3, $4  }
0x78: {  	[sflag:s23] =	ssyncadd.s32 $0xFFFFD800  }
0x79: {  	[spmem:s3] =	stream.indirect.scatter.add.f32 [tilespmem:s19], [sflag:$0x2], $0x50, s21, s21, $0xb8;
	[tilespmem:$0xF100] =	vst v63  }
0x7a: {  	_ =	swait.ge [sflag:s20], $0x2800  }
0x7b: {  	s26 =	smov.u32 s29;
	[sflag:s20] =	ssyncset.done $0x0  }
.Ltmp4:
0x7c: {  	_ = 	snop;
	(pc) =	sbr.rel .LBB2_7-.Ltmp4, $1  }
0x7d: {  	_ =	sdelay $0x3  }
.LBB2_2:
0x7e: {  	s25 =	sadd.s32 $0x0, s17  }
0x7f: {  	[tilespmem:s4], [sflag:$0x2] =	stream.strided.gather [hbm4b:s25+s21], $0x100, s22, s21, $0x38;
	[tilespmem:$0xF100] =	vst v63  }
0x80: {  	_ =	swait.ge [sflag:s20], $0x100  }
0x81: {  	[sflag:s20] =	ssyncset.done $0x0  }
0x82: {  	[sflag:s20] =	ssyncadd.s32 $0xFFFFFF00  }
0x83: {  	[tilespmem:s19], [sflag:$0x1] =	stream.indirect.gather [hbm4b:s5+s21], $0x50, s4, s21, $0xb8;
	[tilespmem:$0xF100] =	vst v63  }
0x84: {  	_ =	swait.ge [sflag:s23], $0x2800  }
0x85: {  	[sflag:s23] =	ssyncset.done $0x0  }
0x86: {  	[sflag:s23] =	ssyncadd.s32 $0xFFFFD800  }
0x87: {  	[spmem:s3] =	stream.indirect.scatter.add.f32 [tilespmem:s19], [sflag:$0x2], $0x50, s21, s21, $0xb8;
	[tilespmem:$0xF100] =	vst v63  }
0x88: {  	_ =	swait.ge [sflag:s20], $0x2800  }
0x89: {  	s26 =	simm.s32 $0x20;
	s25 =	simm.s32 $0x10;
	[sflag:s20] =	ssyncset.done $0x0  }
.LBB2_3:
0x8a: {  	s28 =	sadd.s32 s25, s17  }
0x8b: {  	[sflag:s20] =	ssyncadd.s32 $0xFFFFD800;
	s25 =	smov.u32 s26;
	s29 =	sadd.s32 $0x10, s26  }
0x8c: {  	[tilespmem:s4], [sflag:$0x2] =	stream.strided.gather [hbm4b:s28+s21], $0x100, s22, s21, $0x38;
	[tilespmem:$0xF100] =	vst v63  }
0x8d: {  	p1 =	seq.s32 s26, $0x5F0;
	_ =	swait.ge [sflag:s20], $0x100  }
0x8e: {  	[sflag:s20] =	ssyncset.done $0x0  }
0x8f: {  	[sflag:s20] =	ssyncadd.s32 $0xFFFFFF00  }
0x90: {  	[tilespmem:s19], [sflag:$0x1] =	stream.indirect.gather [hbm4b:s5+s21], $0x50, s4, s21, $0xb8;
	[tilespmem:$0xF100] =	vst v63  }
0x91: {  	_ =	swait.ge [sflag:s23], $0x2800  }
.Ltmp5:
0x92: {  	[sflag:s23] =	ssyncset.done $0x0;
	(pc) =	sbr.rel @!p1 .LBB2_3-.Ltmp5, $4  }
0x93: {  	[sflag:s23] =	ssyncadd.s32 $0xFFFFD800  }
0x94: {  	[spmem:s3] =	stream.indirect.scatter.add.f32 [tilespmem:s19], [sflag:$0x2], $0x50, s21, s21, $0xb8;
	[tilespmem:$0xF100] =	vst v63  }
0x95: {  	_ =	swait.ge [sflag:s20], $0x2800  }
0x96: {  	s26 =	smov.u32 s29;
	[sflag:s20] =	ssyncset.done $0x0  }
0x97: {  	s25 =	sadd.s32 s25, s17;
	[sflag:s20] =	ssyncadd.s32 $0xFFFFD800  }
0x98: {  	[tilespmem:s4], [sflag:$0x2] =	stream.strided.gather [hbm4b:s25+s21], $0x100, s22, s21, $0x38;
	[tilespmem:$0xF100] =	vst v63  }
0x99: {  	_ =	swait.ge [sflag:s20], $0x100  }
0x9a: {  	[sflag:s20] =	ssyncset.done $0x0  }
0x9b: {  	[sflag:s20] =	ssyncadd.s32 $0xFFFFFF00  }
0x9c: {  	[tilespmem:s19], [sflag:$0x1] =	stream.indirect.gather [hbm4b:s5+s21], $0x50, s4, s21, $0xb8;
	[tilespmem:$0xF100] =	vst v63  }
0x9d: {  	_ =	swait.ge [sflag:s23], $0x2800  }
0x9e: {  	[sflag:s23] =	ssyncset.done $0x0  }
.Ltmp6:
0x9f: {  	[sflag:s23] =	ssyncadd.s32 $0xFFFFD800;
	(pc) =	sbr.rel .LBB2_8-.Ltmp6, $4  }
0xa0: {  	[spmem:s3] =	stream.indirect.scatter.add.f32 [tilespmem:s19], [sflag:$0x2], $0x50, s21, s21, $0xb8;
	[tilespmem:$0xF100] =	vst v63  }
0xa1: {  	_ =	swait.ge [sflag:s20], $0x2800  }
0xa2: {  	[sflag:s20] =	ssyncset.done $0x0  }
0xa3: {  	[sflag:s20] =	ssyncadd.s32 $0xFFFFD800  }
.LBB2_9:
0xa4: {  	_ =	sfence.sel $0x180000  }
0xa5: {  	[bflag:$0x0] =	sbarrier.arrive $0xFFFF  }
0xa6: {  	p0 =	sne.s32 s2, $0x0;
	_ =	strace $0x9000004A  }
0xa7: {  	s0 =	sadd.s32 @!p0 $0x100000, s0;
	[bflag:$0x2] =	sbarrier.arrive $0xFFFF  }
0xa8: {  	[sflag:s0] =	ssyncadd.tile.s32 @!p0 $0x1;
	_ =	shalt  }
.Lfunc_end2:
_tile_overlayer_lowered:
.L_overlay_start_2:
0xa9: {  	(tag) =	ssettag $0x2  }
0xaa: {  	s0 =	rddreg [dreg:$0x0];
	s2 =	stileid.u32  }
0xab: {  	s1 =	rddreg [dreg:$0x1];
	p0 =	sne.s32 s2, $0x0  }
0xac: {  	s3 =	rddreg [dreg:$0x2];
	[bflag:$0x3] =	sbarrier.arrive $0xFFFF;
	s2 =	simm.s32 @!p0 $0x1C02  }
0xad: {  	[timem:s3], [sflag:s2] =	dma.local @!p0 [hbm:s0], s1  }
0xae: {  	s0 =	simm.s32 @!p0 $0x2  }
0xaf: {  	_ =	swait.ge @!p0 [sflag:s0], s1  }
0xb0: {  	s1 =	ssub.s32 @!p0 $0x0, s1;
	[sflag:s0] =	ssyncset.done @!p0 $0x0  }
0xb1: {  	[sflag:s0] =	ssyncadd.s32 @!p0 s1  }
0xb2: {  	[bflag:$0x3] =	sbarrier.arrive $0xFFFF  }
0xb3: {  	_ =	shalt  }

</sc_bundles>
